<compile_context>
chip_gen: v7x
topology: tpu7x:2x2x1
jax: 0.10.2.dev20260603
libtpu: 0.0.44.dev20260713+nightly
codegen_flags: <defaults>
</compile_context>

<pallas_src>
import functools

import jax
import jax.numpy as jnp
from jax import lax
from jax.experimental import pallas as pl
from jax.experimental.pallas import tpu as pltpu
from jax.experimental.pallas import tpu_sc as plsc

E = 64
D = 768
FF = 3072
T = 2048
CHUNK = 256
RCH = 256


def _router_body(x_ref, wg_ref, logits_ref, p_ref, order_ref, starts_ref,
                 ends_ref):
    x = x_ref[...]
    wg = wg_ref[...]
    logits = lax.dot_general(x, wg, (((1,), (1,)), ((), ())),
                             preferred_element_type=jnp.float32)
    logits_ref[...] = logits
    m = jnp.max(logits, axis=1, keepdims=True)
    eids = lax.broadcasted_iota(jnp.int32, (T, E), 1)
    idx = jnp.min(jnp.where(logits == m, eids, E), axis=1, keepdims=True)
    onehot = (idx == eids).astype(jnp.float32)
    counts = jnp.sum(onehot, axis=0, keepdims=True)
    r_i = lax.broadcasted_iota(jnp.int32, (E, E), 0)
    c_i = lax.broadcasted_iota(jnp.int32, (E, E), 1)
    excl = (r_i < c_i).astype(jnp.float32)
    counts_hi = jnp.floor(counts * (1.0 / 256.0))
    counts_lo = counts - 256.0 * counts_hi
    dims_oe = (((1,), (0,)), ((), ()))
    offsets = (256.0 * lax.dot_general(counts_hi, excl, dims_oe,
                                       preferred_element_type=jnp.float32)
               + lax.dot_general(counts_lo, excl, dims_oe,
                                 preferred_element_type=jnp.float32))
    starts_ref[...] = (offsets + 0.5).astype(jnp.int32)
    ends_ref[...] = (offsets + counts + 0.5).astype(jnp.int32)
    rr = lax.broadcasted_iota(jnp.int32, (RCH, RCH), 0)
    cc = lax.broadcasted_iota(jnp.int32, (RCH, RCH), 1)
    tril = (cc < rr).astype(jnp.float32)
    carry = jnp.zeros((1, E), jnp.float32)
    pos_chunks = []
    for i in range(T // RCH):
        oh = onehot[i * RCH:(i + 1) * RCH]
        rank = lax.dot_general(tril, oh, (((1,), (0,)), ((), ())),
                               preferred_element_type=jnp.float32) + carry
        carry = carry + jnp.sum(oh, axis=0, keepdims=True)
        pos = jnp.sum(oh * (rank + offsets), axis=1, keepdims=True)
        p_ref[pl.ds(i * RCH, RCH), :] = (pos + 0.5).astype(jnp.int32)
        pos_chunks.append(pos)
    pos_all = jnp.floor(jnp.concatenate(pos_chunks, axis=0) + 0.5)
    tids_i = lax.broadcasted_iota(jnp.int32, (T, 1), 0)
    tids_hi = (tids_i // 256).astype(jnp.float32)
    tids_lo = (tids_i % 256).astype(jnp.float32)
    dims_t = (((0,), (0,)), ((), ()))
    for j in range(T // RCH):
        jv = jnp.float32(j * RCH) + lax.broadcasted_iota(
            jnp.int32, (T, RCH), 1).astype(jnp.float32)
        match = (pos_all == jv).astype(jnp.float32)
        ob = (256.0 * lax.dot_general(match, tids_hi, dims_t,
                                      preferred_element_type=jnp.float32)
              + lax.dot_general(match, tids_lo, dims_t,
                                preferred_element_type=jnp.float32))
        order_ref[pl.ds(j * RCH, RCH), :] = (ob + 0.5).astype(jnp.int32)


FSPLIT = 2


def _expert_body(starts_ref, ends_ref, sx_ref, w1_ref, b1_ref, w2_ref, b2_ref,
                 h_ref):
    e = pl.program_id(0)
    f = pl.program_id(1)

    @pl.when((e == 0) & (f == 0))
    def _():
        h_ref[...] = jnp.zeros_like(h_ref)

    start = starts_ref[0, e]
    end = ends_ref[0, e]
    w1 = w1_ref[0].astype(jnp.bfloat16)
    w2 = w2_ref[0].astype(jnp.bfloat16)
    b1 = b1_ref[0]
    b2 = b2_ref[0] * (f == 0).astype(jnp.float32)
    c0 = start // CHUNK
    c1 = (end + CHUNK - 1) // CHUNK

    def body(c, carry):
        cb = c * CHUNK
        xs = sx_ref[pl.ds(cb, CHUNK), :].astype(jnp.bfloat16)
        h1 = lax.dot_general(xs, w1, (((1,), (1,)), ((), ())),
                             preferred_element_type=jnp.float32)
        h1 = jnp.maximum(h1 + b1, 0.0).astype(jnp.bfloat16)
        h2 = lax.dot_general(h1, w2, (((1,), (1,)), ((), ())),
                             preferred_element_type=jnp.float32)
        h2 = h2 + b2
        rows = cb + lax.broadcasted_iota(jnp.int32, (CHUNK, 1), 0)
        msk = (rows >= start) & (rows < end)
        h_ref[pl.ds(cb, CHUNK), :] = (
            h_ref[pl.ds(cb, CHUNK), :] + jnp.where(msk, h2, 0.0))
        return carry

    @pl.when(c1 > c0)
    def _():
        body(c0, 0)

    @pl.when(c1 > c0 + 1)
    def _():
        body(c0 + 1, 0)

    lax.fori_loop(c0 + 2, c1, body, 0)


def _make_router():
    return pl.pallas_call(
        _router_body,
        out_shape=(
            jax.ShapeDtypeStruct((T, E), jnp.float32),
            jax.ShapeDtypeStruct((T, 1), jnp.int32),
            jax.ShapeDtypeStruct((T, 1), jnp.int32),
            jax.ShapeDtypeStruct((1, E), jnp.int32),
            jax.ShapeDtypeStruct((1, E), jnp.int32),
        ),
    )


def _make_experts():
    grid = (E, FSPLIT)
    ffb = FF // FSPLIT
    return pl.pallas_call(
        _expert_body,
        grid=grid,
        in_specs=[
            pl.BlockSpec(memory_space=pltpu.SMEM),
            pl.BlockSpec(memory_space=pltpu.SMEM),
            pl.BlockSpec((T, D), lambda e, f: (0, 0)),
            pl.BlockSpec((1, ffb, D), lambda e, f: (e, f, 0)),
            pl.BlockSpec((1, 1, ffb), lambda e, f: (e, 0, f)),
            pl.BlockSpec((1, D, ffb), lambda e, f: (e, 0, f)),
            pl.BlockSpec((1, 1, D), lambda e, f: (e, 0, 0)),
        ],
        out_specs=pl.BlockSpec((T, D), lambda e, f: (0, 0)),
        out_shape=jax.ShapeDtypeStruct((T, D), jnp.float32),
    )


def _make_sc_gather():
    info = plsc.get_sparse_core_info()
    nw = info.num_cores * info.num_subcores
    rows_per_w = T // nw
    mesh = plsc.VectorSubcoreMesh(core_axis_name="c", subcore_axis_name="s")

    @functools.partial(
        pl.kernel,
        mesh=mesh,
        out_type=jax.ShapeDtypeStruct((T, D), jnp.float32),
        scratch_types=[
            pltpu.VMEM((rows_per_w,), jnp.int32),
            pltpu.VMEM((rows_per_w, D), jnp.float32),
            pltpu.SemaphoreType.DMA,
        ],
    )
    def gather(table_hbm, idx_hbm, out_hbm, idx_v, rows_v, sem):
        wid = lax.axis_index("s") * info.num_cores + lax.axis_index("c")
        base = wid * rows_per_w
        pltpu.sync_copy(idx_hbm.at[pl.ds(base, rows_per_w)], idx_v)
        pltpu.async_copy(table_hbm.at[idx_v], rows_v, sem).wait()
        pltpu.sync_copy(rows_v, out_hbm.at[pl.ds(base, rows_per_w)])

    return gather


def kernel(hidden_states, Wg, W1, b1, W2, b2):
    orig_shape = hidden_states.shape
    x = hidden_states.reshape(T, D)
    logits, p, order, starts, ends = _make_router()(x, Wg)
    gather = _make_sc_gather()
    sorted_x = gather(x, order.reshape(T))
    h = _make_experts()(starts, ends, sorted_x, W1, b1.reshape(E, 1, FF), W2,
                        b2.reshape(E, 1, D))
    out = gather(h, p.reshape(T))
    return out.reshape(orig_shape), logits

# --- scband reference (transcript-rebuilt; emitter-appended) ---
"""Pipeline reference for scband-mo-e-py-torch-2001454760319 (READ-ONLY COPY).

The authoritative reference and input builder live on the scoring server;
editing this copy changes nothing except your own understanding.
"""

import jax, jax.numpy as jnp
import numpy as np

E = 64
TOPK = 1
D = 768
FF = 3072
B = 1
S = 2048
STD = 0.02


def setup_inputs(seed: int = 0) -> dict:
    key = jax.random.key(seed)
    ks = jax.random.split(key, 5)
    hidden_states = jax.random.normal(ks[0], (B, S, D), dtype=jnp.float32)
    Wg = jax.random.normal(ks[1], (E, D), dtype=jnp.float32) * STD
    W1 = jax.random.normal(ks[2], (E, FF, D), dtype=jnp.float32) * STD
    b1 = jnp.zeros((E, FF), dtype=jnp.float32)
    W2 = jax.random.normal(ks[3], (E, D, FF), dtype=jnp.float32) * STD
    b2 = jnp.zeros((E, D), dtype=jnp.float32)
    return {"hidden_states": hidden_states, "Wg": Wg, "W1": W1, "b1": b1, "W2": W2, "b2": b2}


def reference(hidden_states, Wg, W1, b1, W2, b2):
    orig_shape = hidden_states.shape
    x = hidden_states.reshape(-1, D)
    total_q = x.shape[0]
    # gate
    router_logits = x @ Wg.T
    # top-k (k=1 -> max)
    if TOPK == 1:
        vals = jnp.max(router_logits, axis=-1, keepdims=True)
        idx = jnp.argmax(router_logits, axis=-1)[:, None]
    else:
        vals, idx = jax.lax.top_k(router_logits, TOPK)
    router_weights = jax.nn.softmax(vals.astype(jnp.float32), axis=-1).astype(x.dtype)
    # expert assignment (matches torch bincount + stable sort)
    selected = idx.reshape(-1)
    order = jnp.argsort(selected)  # stable
    sorted_experts = selected[order]
    batch_index = order // TOPK
    batch_gates = router_weights.reshape(-1)[order]
    expert_inputs = x[batch_index]
    # per-expert MLP with static shapes: each sorted token belongs to exactly
    # one expert, so masked accumulation reproduces the split computation
    h = jnp.zeros((expert_inputs.shape[0], D), dtype=x.dtype)
    for e in range(E):
        mask = (sorted_experts == e)[:, None]
        he = expert_inputs @ W1[e].T + b1[e]
        he = jax.nn.relu(he)
        he = he @ W2[e].T + b2[e]
        h = h + jnp.where(mask, he, jnp.zeros_like(he))
    h = h * batch_gates[:, None]
    out = jnp.zeros((total_q, D), dtype=h.dtype).at[batch_index].add(h)
    return out.reshape(orig_shape), router_logits

if __name__ == "__main__":
    import jax
    _d = setup_inputs()
    print(jax.jit(kernel)(*tuple(_d.values())))

</pallas_src>

<mosaic_0001>
#map = affine_map<(d0, d1) -> (0, 0)>
#map1 = affine_map<(d0, d1) -> (0)>
module attributes {stable_mosaic.version = 14 : i64} {
  func.func @gather(%arg0: i32, %arg1: i32, %arg2: memref<2048x768xf32, #tpu.memory_space<hbm>>, %arg3: memref<2048xi32, #tpu.memory_space<hbm>>, %arg4: memref<2048x768xf32, #tpu.memory_space<hbm>>, %arg5: memref<64xi32, #tpu.memory_space<vmem>>, %arg6: memref<64x768xf32, #tpu.memory_space<vmem>>, %arg7: memref<!tpu.dma_semaphore, #tpu.memory_space<semaphore_mem>>) attributes {dimension_semantics = [#tpu.dimension_semantics<core_parallel>, #tpu.dimension_semantics<subcore_parallel>], iteration_bounds = array<i64: 2, 16>, scalar_prefetch = 0 : i64, scratch_operands = 3 : i64, tpu.core_type = #tpu.core_type<sc_vector_subcore>, window_params = [{transform_indices = #map}, {transform_indices = #map1}, {transform_indices = #map}]} {
    %mul3A = arith.constant 2 : i32
    %mul3A_0 = arith.muli %arg1, %mul3A : i32
    %add3A = arith.addi %mul3A_0, %arg0 : i32
    %mul3A_1 = arith.constant 64 : i32
    %mul3A_2 = arith.muli %add3A, %mul3A_1 : i32
    "tpu.region"() ({
      %run_scoped3A = tpu.sem_alloc : memref<!tpu.dma_semaphore, #tpu.memory_space<semaphore_mem>>
      %dma_start3A_7 = tpu.memref_slice %arg3[%mul3A_2] : memref<2048xi32, #tpu.memory_space<hbm>> -> memref<64xi32, #tpu.memory_space<hbm>>
      %dma_start3A_8 = tpu.memref_slice %arg3[%mul3A_2] : memref<2048xi32, #tpu.memory_space<hbm>> -> memref<64xi32, #tpu.memory_space<hbm>>
      tpu.enqueue_dma source(%dma_start3A_8 : memref<64xi32, #tpu.memory_space<hbm>>) target(%arg5 : memref<64xi32, #tpu.memory_space<vmem>>) target_semaphore(%run_scoped3A : memref<!tpu.dma_semaphore, #tpu.memory_space<semaphore_mem>>)
      %dma_wait3A_9 = tpu.memref_slice %arg3[%mul3A_2] : memref<2048xi32, #tpu.memory_space<hbm>> -> memref<64xi32, #tpu.memory_space<hbm>>
      %dma_wait3A_10 = tpu.memref_slice %arg3[%mul3A_2] : memref<2048xi32, #tpu.memory_space<hbm>> -> memref<64xi32, #tpu.memory_space<hbm>>
      tpu.wait_dma2 semaphore(%run_scoped3A : memref<!tpu.dma_semaphore, #tpu.memory_space<semaphore_mem>>) src(%dma_wait3A_10 : memref<64xi32, #tpu.memory_space<hbm>>) dst(%arg5 : memref<64xi32, #tpu.memory_space<vmem>>)
      tpu.yield
    }) : () -> ()
    %dma_start3A = arith.constant 0 : i32
    %dma_start3A_3 = arith.constant 0 : i32
    %dma_start3A_4 = tpu.memref_slice %arg2[%dma_start3A, %dma_start3A_3] : memref<2048x768xf32, #tpu.memory_space<hbm>> -> memref<2048x768xf32, #tpu.memory_space<hbm>>
    tpu.enqueue_indirect_dma source(%dma_start3A_4 : memref<2048x768xf32, #tpu.memory_space<hbm>>) target(%arg6 : memref<64x768xf32, #tpu.memory_space<vmem>>) offsets(%arg5 : memref<64xi32, #tpu.memory_space<vmem>>) semaphore(%arg7 : memref<!tpu.dma_semaphore, #tpu.memory_space<semaphore_mem>>)
    %dma_wait3A = arith.constant 0 : i32
    %dma_wait3A_5 = arith.constant 0 : i32
    %dma_wait3A_6 = tpu.memref_slice %arg2[%dma_wait3A, %dma_wait3A_5] : memref<2048x768xf32, #tpu.memory_space<hbm>> -> memref<2048x768xf32, #tpu.memory_space<hbm>>
    tpu.wait_indirect_dma semaphore(%arg7 : memref<!tpu.dma_semaphore, #tpu.memory_space<semaphore_mem>>) src(%dma_wait3A_6 : memref<2048x768xf32, #tpu.memory_space<hbm>>) dst(%arg6 : memref<64x768xf32, #tpu.memory_space<vmem>>)
    "tpu.region"() ({
      %run_scoped3A = tpu.sem_alloc : memref<!tpu.dma_semaphore, #tpu.memory_space<semaphore_mem>>
      %dma_start3A_7 = arith.constant 0 : i32
      %dma_start3A_8 = tpu.memref_slice %arg4[%mul3A_2, %dma_start3A_7] : memref<2048x768xf32, #tpu.memory_space<hbm>> -> memref<64x768xf32, #tpu.memory_space<hbm>>
      %dma_start3A_9 = arith.constant 0 : i32
      %dma_start3A_10 = tpu.memref_slice %arg4[%mul3A_2, %dma_start3A_9] : memref<2048x768xf32, #tpu.memory_space<hbm>> -> memref<64x768xf32, #tpu.memory_space<hbm>>
      tpu.enqueue_dma source(%arg6 : memref<64x768xf32, #tpu.memory_space<vmem>>) target(%dma_start3A_10 : memref<64x768xf32, #tpu.memory_space<hbm>>) target_semaphore(%run_scoped3A : memref<!tpu.dma_semaphore, #tpu.memory_space<semaphore_mem>>)
      %dma_wait3A_11 = arith.constant 0 : i32
      %dma_wait3A_12 = tpu.memref_slice %arg4[%mul3A_2, %dma_wait3A_11] : memref<2048x768xf32, #tpu.memory_space<hbm>> -> memref<64x768xf32, #tpu.memory_space<hbm>>
      %dma_wait3A_13 = arith.constant 0 : i32
      %dma_wait3A_14 = tpu.memref_slice %arg4[%mul3A_2, %dma_wait3A_13] : memref<2048x768xf32, #tpu.memory_space<hbm>> -> memref<64x768xf32, #tpu.memory_space<hbm>>
      tpu.wait_dma2 semaphore(%run_scoped3A : memref<!tpu.dma_semaphore, #tpu.memory_space<semaphore_mem>>) src(%arg6 : memref<64x768xf32, #tpu.memory_space<vmem>>) dst(%dma_wait3A_14 : memref<64x768xf32, #tpu.memory_space<hbm>>)
      tpu.yield
    }) : () -> ()
    return
  }
}

#map = affine_map<(d0, d1) -> (0, 0)>
#map1 = affine_map<(d0, d1) -> (0)>
module attributes {stable_mosaic.version = 14 : i64} {
  func.func @gather(%arg0: i32, %arg1: i32, %arg2: memref<2048x768xf32, #tpu.memory_space<hbm>>, %arg3: memref<2048xi32, #tpu.memory_space<hbm>>, %arg4: memref<2048x768xf32, #tpu.memory_space<hbm>>, %arg5: memref<64xi32, #tpu.memory_space<vmem>>, %arg6: memref<64x768xf32, #tpu.memory_space<vmem>>, %arg7: memref<!tpu.dma_semaphore, #tpu.memory_space<semaphore_mem>>) attributes {dimension_semantics = [#tpu.dimension_semantics<core_parallel>, #tpu.dimension_semantics<subcore_parallel>], iteration_bounds = array<i64: 2, 16>, scalar_prefetch = 0 : i64, scratch_operands = 3 : i64, tpu.core_type = #tpu.core_type<sc_vector_subcore>, window_params = [{transform_indices = #map}, {transform_indices = #map1}, {transform_indices = #map}]} {
    %mul3A = arith.constant 2 : i32
    %mul3A_0 = arith.muli %arg1, %mul3A : i32
    %add3A = arith.addi %mul3A_0, %arg0 : i32
    %mul3A_1 = arith.constant 64 : i32
    %mul3A_2 = arith.muli %add3A, %mul3A_1 : i32
    "tpu.region"() ({
      %run_scoped3A = tpu.sem_alloc : memref<!tpu.dma_semaphore, #tpu.memory_space<semaphore_mem>>
      %dma_start3A_7 = tpu.memref_slice %arg3[%mul3A_2] : memref<2048xi32, #tpu.memory_space<hbm>> -> memref<64xi32, #tpu.memory_space<hbm>>
      %dma_start3A_8 = tpu.memref_slice %arg3[%mul3A_2] : memref<2048xi32, #tpu.memory_space<hbm>> -> memref<64xi32, #tpu.memory_space<hbm>>
      tpu.enqueue_dma source(%dma_start3A_8 : memref<64xi32, #tpu.memory_space<hbm>>) target(%arg5 : memref<64xi32, #tpu.memory_space<vmem>>) target_semaphore(%run_scoped3A : memref<!tpu.dma_semaphore, #tpu.memory_space<semaphore_mem>>)
      %dma_wait3A_9 = tpu.memref_slice %arg3[%mul3A_2] : memref<2048xi32, #tpu.memory_space<hbm>> -> memref<64xi32, #tpu.memory_space<hbm>>
      %dma_wait3A_10 = tpu.memref_slice %arg3[%mul3A_2] : memref<2048xi32, #tpu.memory_space<hbm>> -> memref<64xi32, #tpu.memory_space<hbm>>
      tpu.wait_dma2 semaphore(%run_scoped3A : memref<!tpu.dma_semaphore, #tpu.memory_space<semaphore_mem>>) src(%dma_wait3A_10 : memref<64xi32, #tpu.memory_space<hbm>>) dst(%arg5 : memref<64xi32, #tpu.memory_space<vmem>>)
      tpu.yield
    }) : () -> ()
    %dma_start3A = arith.constant 0 : i32
    %dma_start3A_3 = arith.constant 0 : i32
    %dma_start3A_4 = tpu.memref_slice %arg2[%dma_start3A, %dma_start3A_3] : memref<2048x768xf32, #tpu.memory_space<hbm>> -> memref<2048x768xf32, #tpu.memory_space<hbm>>
    tpu.enqueue_indirect_dma source(%dma_start3A_4 : memref<2048x768xf32, #tpu.memory_space<hbm>>) target(%arg6 : memref<64x768xf32, #tpu.memory_space<vmem>>) offsets(%arg5 : memref<64xi32, #tpu.memory_space<vmem>>) semaphore(%arg7 : memref<!tpu.dma_semaphore, #tpu.memory_space<semaphore_mem>>)
    %dma_wait3A = arith.constant 0 : i32
    %dma_wait3A_5 = arith.constant 0 : i32
    %dma_wait3A_6 = tpu.memref_slice %arg2[%dma_wait3A, %dma_wait3A_5] : memref<2048x768xf32, #tpu.memory_space<hbm>> -> memref<2048x768xf32, #tpu.memory_space<hbm>>
    tpu.wait_indirect_dma semaphore(%arg7 : memref<!tpu.dma_semaphore, #tpu.memory_space<semaphore_mem>>) src(%dma_wait3A_6 : memref<2048x768xf32, #tpu.memory_space<hbm>>) dst(%arg6 : memref<64x768xf32, #tpu.memory_space<vmem>>)
    "tpu.region"() ({
      %run_scoped3A = tpu.sem_alloc : memref<!tpu.dma_semaphore, #tpu.memory_space<semaphore_mem>>
      %dma_start3A_7 = arith.constant 0 : i32
      %dma_start3A_8 = tpu.memref_slice %arg4[%mul3A_2, %dma_start3A_7] : memref<2048x768xf32, #tpu.memory_space<hbm>> -> memref<64x768xf32, #tpu.memory_space<hbm>>
      %dma_start3A_9 = arith.constant 0 : i32
      %dma_start3A_10 = tpu.memref_slice %arg4[%mul3A_2, %dma_start3A_9] : memref<2048x768xf32, #tpu.memory_space<hbm>> -> memref<64x768xf32, #tpu.memory_space<hbm>>
      tpu.enqueue_dma source(%arg6 : memref<64x768xf32, #tpu.memory_space<vmem>>) target(%dma_start3A_10 : memref<64x768xf32, #tpu.memory_space<hbm>>) target_semaphore(%run_scoped3A : memref<!tpu.dma_semaphore, #tpu.memory_space<semaphore_mem>>)
      %dma_wait3A_11 = arith.constant 0 : i32
      %dma_wait3A_12 = tpu.memref_slice %arg4[%mul3A_2, %dma_wait3A_11] : memref<2048x768xf32, #tpu.memory_space<hbm>> -> memref<64x768xf32, #tpu.memory_space<hbm>>
      %dma_wait3A_13 = arith.constant 0 : i32
      %dma_wait3A_14 = tpu.memref_slice %arg4[%mul3A_2, %dma_wait3A_13] : memref<2048x768xf32, #tpu.memory_space<hbm>> -> memref<64x768xf32, #tpu.memory_space<hbm>>
      tpu.wait_dma2 semaphore(%run_scoped3A : memref<!tpu.dma_semaphore, #tpu.memory_space<semaphore_mem>>) src(%arg6 : memref<64x768xf32, #tpu.memory_space<vmem>>) dst(%dma_wait3A_14 : memref<64x768xf32, #tpu.memory_space<hbm>>)
      tpu.yield
    }) : () -> ()
    return
  }
}

module attributes {stable_mosaic.version = 14 : i64} {
  func.func @_router_body(%arg0: memref<2048x768xf32, #tpu.memory_space<vmem>>, %arg1: memref<64x768xf32, #tpu.memory_space<vmem>>, %arg2: memref<2048x64xf32, #tpu.memory_space<vmem>>, %arg3: memref<2048x1xi32, #tpu.memory_space<vmem>>, %arg4: memref<2048x1xi32, #tpu.memory_space<vmem>>, %arg5: memref<1x64xi32, #tpu.memory_space<vmem>>, %arg6: memref<1x64xi32, #tpu.memory_space<vmem>>) attributes {dimension_semantics = [], scalar_prefetch = 0 : i64, scratch_operands = 0 : i64, tpu.core_type = #tpu.core_type<tc>} {
    %get3A = arith.constant 0 : index
    %get3A_0 = arith.constant 0 : index
    %get3A_1 = vector.load %arg0[%get3A, %get3A_0] : memref<2048x768xf32, #tpu.memory_space<vmem>>, vector<2048x768xf32>
    %get3A_2 = arith.constant 0 : index
    %get3A_3 = arith.constant 0 : index
    %get3A_4 = vector.load %arg1[%get3A_2, %get3A_3] : memref<64x768xf32, #tpu.memory_space<vmem>>, vector<64x768xf32>
    %dot_general3A = arith.constant dense<0.000000e+00> : vector<2048x64xf32>
    %dot_general3A_5 = tpu.matmul %get3A_1, %get3A_4, %dot_general3A {dimension_numbers = #tpu.dot_dimension_numbers<[1], [1], [0], [0], [0, 0, 1, 0], [], []>, transpose_lhs_hint = false} : vector<2048x768xf32>, vector<64x768xf32>, vector<2048x64xf32> -> vector<2048x64xf32>
    %swap3A = arith.constant 0 : index
    %swap3A_6 = arith.constant 0 : index
    %swap3A_7 = vector.load %arg2[%swap3A, %swap3A_6] : memref<2048x64xf32, #tpu.memory_space<vmem>>, vector<2048x64xf32>
    tpu.vector_store %arg2[%swap3A, %swap3A_6], %dot_general3A_5 {strides = array<i32>} : memref<2048x64xf32, #tpu.memory_space<vmem>>, vector<2048x64xf32>,
    %reduce_max3A = arith.constant dense<0xFF800000> : vector<2048xf32>
    %reduce_max3A_8 = vector.multi_reduction <maximumf>, %dot_general3A_5, %reduce_max3A [1] : vector<2048x64xf32> to vector<2048xf32>
    %broadcast_in_dim3A = vector.shape_cast %reduce_max3A_8 : vector<2048xf32> to vector<2048x1xf32>
    %iota3A = tpu.iota {dimensions = array<i32: 1>} : vector<2048x64xi32>
    %eq3A = vector.broadcast %broadcast_in_dim3A : vector<2048x1xf32> to vector<2048x64xf32>
    %eq3A_9 = arith.cmpf oeq, %dot_general3A_5, %eq3A : vector<2048x64xf32>
    %jit3A = arith.constant 64 : i32
    %broadcast_in_dim3A_10 = vector.broadcast %jit3A : i32 to vector<2048x64xi32>
    %select_n3A = arith.select %eq3A_9, %iota3A, %broadcast_in_dim3A_10 : vector<2048x64xi1>, vector<2048x64xi32>
    %reduce_min3A = arith.constant dense<2147483647> : vector<2048xi32>
    %reduce_min3A_11 = vector.multi_reduction <minsi>, %select_n3A, %reduce_min3A [1] : vector<2048x64xi32> to vector<2048xi32>
    %broadcast_in_dim3A_12 = vector.shape_cast %reduce_min3A_11 : vector<2048xi32> to vector<2048x1xi32>
    %eq3A_13 = vector.broadcast %broadcast_in_dim3A_12 : vector<2048x1xi32> to vector<2048x64xi32>
    %eq3A_14 = arith.cmpi eq, %eq3A_13, %iota3A : vector<2048x64xi32>
    %convert_element_type3A = arith.extui %eq3A_14 : vector<2048x64xi1> to vector<2048x64xi32>
    %convert_element_type3A_15 = arith.sitofp %convert_element_type3A : vector<2048x64xi32> to vector<2048x64xf32>
    %reduce_sum3A = arith.constant dense<0.000000e+00> : vector<64xf32>
    %reduce_sum3A_16 = vector.multi_reduction <add>, %convert_element_type3A_15, %reduce_sum3A [0] : vector<2048x64xf32> to vector<64xf32>
    %broadcast_in_dim3A_17 = vector.shape_cast %reduce_sum3A_16 : vector<64xf32> to vector<1x64xf32>
    %iota3A_18 = tpu.iota {dimensions = array<i32: 0>} : vector<64x64xi32>
    %iota3A_19 = tpu.iota {dimensions = array<i32: 1>} : vector<64x64xi32>
    %lt3A = arith.cmpi slt, %iota3A_18, %iota3A_19 : vector<64x64xi32>
    %convert_element_type3A_20 = arith.extui %lt3A : vector<64x64xi1> to vector<64x64xi32>
    %convert_element_type3A_21 = arith.sitofp %convert_element_type3A_20 : vector<64x64xi32> to vector<64x64xf32>
    %mul3A = arith.constant 3.906250e-03 : f32
    %mul3A_22 = vector.broadcast %mul3A : f32 to vector<1x64xf32>
    %mul3A_23 = arith.mulf %broadcast_in_dim3A_17, %mul3A_22 : vector<1x64xf32>
    %floor3A = math.floor %mul3A_23 : vector<1x64xf32>
    %mul3A_24 = arith.constant 2.560000e+02 : f32
    %mul3A_25 = vector.broadcast %mul3A_24 : f32 to vector<1x64xf32>
    %mul3A_26 = arith.mulf %mul3A_25, %floor3A : vector<1x64xf32>
    %sub3A = arith.subf %broadcast_in_dim3A_17, %mul3A_26 : vector<1x64xf32>
    %dot_general3A_27 = arith.constant dense<0.000000e+00> : vector<1x64xf32>
    %dot_general3A_28 = tpu.matmul %floor3A, %convert_element_type3A_21, %dot_general3A_27 {dimension_numbers = #tpu.dot_dimension_numbers<[1], [0], [0], [1], [0, 0, 1, 1], [], []>, transpose_lhs_hint = false} : vector<1x64xf32>, vector<64x64xf32>, vector<1x64xf32> -> vector<1x64xf32>
    %mul3A_29 = arith.constant 2.560000e+02 : f32
    %mul3A_30 = vector.broadcast %mul3A_29 : f32 to vector<1x64xf32>
    %mul3A_31 = arith.mulf %mul3A_30, %dot_general3A_28 : vector<1x64xf32>
    %dot_general3A_32 = arith.constant dense<0.000000e+00> : vector<1x64xf32>
    %dot_general3A_33 = tpu.matmul %sub3A, %convert_element_type3A_21, %dot_general3A_32 {dimension_numbers = #tpu.dot_dimension_numbers<[1], [0], [0], [1], [0, 0, 1, 1], [], []>, transpose_lhs_hint = false} : vector<1x64xf32>, vector<64x64xf32>, vector<1x64xf32> -> vector<1x64xf32>
    %add3A = arith.addf %mul3A_31, %dot_general3A_33 : vector<1x64xf32>
    %add3A_34 = arith.constant 5.000000e-01 : f32
    %add3A_35 = vector.broadcast %add3A_34 : f32 to vector<1x64xf32>
    %add3A_36 = arith.addf %add3A, %add3A_35 : vector<1x64xf32>
    %convert_element_type3A_37 = arith.fptosi %add3A_36 : vector<1x64xf32> to vector<1x64xi32>
    %swap3A_38 = arith.constant 0 : index
    %swap3A_39 = arith.constant 0 : index
    %swap3A_40 = vector.load %arg5[%swap3A_38, %swap3A_39] : memref<1x64xi32, #tpu.memory_space<vmem>>, vector<1x64xi32>
    tpu.vector_store %arg5[%swap3A_38, %swap3A_39], %convert_element_type3A_37 {strides = array<i32>} : memref<1x64xi32, #tpu.memory_space<vmem>>, vector<1x64xi32>,
    %add3A_41 = arith.addf %add3A, %broadcast_in_dim3A_17 : vector<1x64xf32>
    %add3A_42 = arith.constant 5.000000e-01 : f32
    %add3A_43 = vector.broadcast %add3A_42 : f32 to vector<1x64xf32>
    %add3A_44 = arith.addf %add3A_41, %add3A_43 : vector<1x64xf32>
    %convert_element_type3A_45 = arith.fptosi %add3A_44 : vector<1x64xf32> to vector<1x64xi32>
    %swap3A_46 = arith.constant 0 : index
    %swap3A_47 = arith.constant 0 : index
    %swap3A_48 = vector.load %arg6[%swap3A_46, %swap3A_47] : memref<1x64xi32, #tpu.memory_space<vmem>>, vector<1x64xi32>
    tpu.vector_store %arg6[%swap3A_46, %swap3A_47], %convert_element_type3A_45 {strides = array<i32>} : memref<1x64xi32, #tpu.memory_space<vmem>>, vector<1x64xi32>,
    %iota3A_49 = tpu.iota {dimensions = array<i32: 0>} : vector<256x256xi32>
    %iota3A_50 = tpu.iota {dimensions = array<i32: 1>} : vector<256x256xi32>
    %lt3A_51 = arith.cmpi slt, %iota3A_50, %iota3A_49 : vector<256x256xi32>
    %convert_element_type3A_52 = arith.extui %lt3A_51 : vector<256x256xi1> to vector<256x256xi32>
    %convert_element_type3A_53 = arith.sitofp %convert_element_type3A_52 : vector<256x256xi32> to vector<256x256xf32>
    %broadcast_in_dim3A_54 = arith.constant 0.000000e+00 : f32
    %broadcast_in_dim3A_55 = vector.broadcast %broadcast_in_dim3A_54 : f32 to vector<1x64xf32>
    %slice3A = vector.extract_strided_slice %convert_element_type3A_15 {offsets = [0, 0], sizes = [256, 64], strides = [1, 1]} : vector<2048x64xf32> to vector<256x64xf32>
    %dot_general3A_56 = arith.constant dense<0.000000e+00> : vector<256x64xf32>
    %dot_general3A_57 = tpu.matmul %convert_element_type3A_53, %slice3A, %dot_general3A_56 {dimension_numbers = #tpu.dot_dimension_numbers<[1], [0], [0], [1], [0, 0, 1, 1], [], []>, transpose_lhs_hint = false} : vector<256x256xf32>, vector<256x64xf32>, vector<256x64xf32> -> vector<256x64xf32>
    %add3A_58 = vector.broadcast %broadcast_in_dim3A_55 : vector<1x64xf32> to vector<256x64xf32>
    %add3A_59 = arith.addf %dot_general3A_57, %add3A_58 : vector<256x64xf32>
    %reduce_sum3A_60 = arith.constant dense<0.000000e+00> : vector<64xf32>
    %reduce_sum3A_61 = vector.multi_reduction <add>, %slice3A, %reduce_sum3A_60 [0] : vector<256x64xf32> to vector<64xf32>
    %broadcast_in_dim3A_62 = vector.shape_cast %reduce_sum3A_61 : vector<64xf32> to vector<1x64xf32>
    %add3A_63 = arith.addf %broadcast_in_dim3A_55, %broadcast_in_dim3A_62 : vector<1x64xf32>
    %add3A_64 = vector.broadcast %add3A : vector<1x64xf32> to vector<256x64xf32>
    %add3A_65 = arith.addf %add3A_59, %add3A_64 : vector<256x64xf32>
    %mul3A_66 = arith.mulf %slice3A, %add3A_65 : vector<256x64xf32>
    %reduce_sum3A_67 = arith.constant dense<0.000000e+00> : vector<256xf32>
    %reduce_sum3A_68 = vector.multi_reduction <add>, %mul3A_66, %reduce_sum3A_67 [1] : vector<256x64xf32> to vector<256xf32>
    %broadcast_in_dim3A_69 = vector.shape_cast %reduce_sum3A_68 : vector<256xf32> to vector<256x1xf32>
    %add3A_70 = arith.constant 5.000000e-01 : f32
    %add3A_71 = vector.broadcast %add3A_70 : f32 to vector<256x1xf32>
    %add3A_72 = arith.addf %broadcast_in_dim3A_69, %add3A_71 : vector<256x1xf32>
    %convert_element_type3A_73 = arith.fptosi %add3A_72 : vector<256x1xf32> to vector<256x1xi32>
    %swap3A_74 = arith.constant 0 : index
    %swap3A_75 = arith.constant 0 : index
    %swap3A_76 = vector.load %arg3[%swap3A_74, %swap3A_75] : memref<2048x1xi32, #tpu.memory_space<vmem>>, vector<256x1xi32>
    tpu.vector_store %arg3[%swap3A_74, %swap3A_75], %convert_element_type3A_73 {strides = array<i32>} : memref<2048x1xi32, #tpu.memory_space<vmem>>, vector<256x1xi32>,
    %slice3A_77 = vector.extract_strided_slice %convert_element_type3A_15 {offsets = [256, 0], sizes = [256, 64], strides = [1, 1]} : vector<2048x64xf32> to vector<256x64xf32>
    %dot_general3A_78 = arith.constant dense<0.000000e+00> : vector<256x64xf32>
    %dot_general3A_79 = tpu.matmul %convert_element_type3A_53, %slice3A_77, %dot_general3A_78 {dimension_numbers = #tpu.dot_dimension_numbers<[1], [0], [0], [1], [0, 0, 1, 1], [], []>, transpose_lhs_hint = false} : vector<256x256xf32>, vector<256x64xf32>, vector<256x64xf32> -> vector<256x64xf32>
    %add3A_80 = vector.broadcast %add3A_63 : vector<1x64xf32> to vector<256x64xf32>
    %add3A_81 = arith.addf %dot_general3A_79, %add3A_80 : vector<256x64xf32>
    %reduce_sum3A_82 = arith.constant dense<0.000000e+00> : vector<64xf32>
    %reduce_sum3A_83 = vector.multi_reduction <add>, %slice3A_77, %reduce_sum3A_82 [0] : vector<256x64xf32> to vector<64xf32>
    %broadcast_in_dim3A_84 = vector.shape_cast %reduce_sum3A_83 : vector<64xf32> to vector<1x64xf32>
    %add3A_85 = arith.addf %add3A_63, %broadcast_in_dim3A_84 : vector<1x64xf32>
    %add3A_86 = vector.broadcast %add3A : vector<1x64xf32> to vector<256x64xf32>
    %add3A_87 = arith.addf %add3A_81, %add3A_86 : vector<256x64xf32>
    %mul3A_88 = arith.mulf %slice3A_77, %add3A_87 : vector<256x64xf32>
    %reduce_sum3A_89 = arith.constant dense<0.000000e+00> : vector<256xf32>
    %reduce_sum3A_90 = vector.multi_reduction <add>, %mul3A_88, %reduce_sum3A_89 [1] : vector<256x64xf32> to vector<256xf32>
    %broadcast_in_dim3A_91 = vector.shape_cast %reduce_sum3A_90 : vector<256xf32> to vector<256x1xf32>
    %add3A_92 = arith.constant 5.000000e-01 : f32
    %add3A_93 = vector.broadcast %add3A_92 : f32 to vector<256x1xf32>
    %add3A_94 = arith.addf %broadcast_in_dim3A_91, %add3A_93 : vector<256x1xf32>
    %convert_element_type3A_95 = arith.fptosi %add3A_94 : vector<256x1xf32> to vector<256x1xi32>
    %swap3A_96 = arith.constant 256 : index
    %swap3A_97 = arith.constant 0 : index
    %swap3A_98 = vector.load %arg3[%swap3A_96, %swap3A_97] : memref<2048x1xi32, #tpu.memory_space<vmem>>, vector<256x1xi32>
    tpu.vector_store %arg3[%swap3A_96, %swap3A_97], %convert_element_type3A_95 {strides = array<i32>} : memref<2048x1xi32, #tpu.memory_space<vmem>>, vector<256x1xi32>,
    %slice3A_99 = vector.extract_strided_slice %convert_element_type3A_15 {offsets = [512, 0], sizes = [256, 64], strides = [1, 1]} : vector<2048x64xf32> to vector<256x64xf32>
    %dot_general3A_100 = arith.constant dense<0.000000e+00> : vector<256x64xf32>
    %dot_general3A_101 = tpu.matmul %convert_element_type3A_53, %slice3A_99, %dot_general3A_100 {dimension_numbers = #tpu.dot_dimension_numbers<[1], [0], [0], [1], [0, 0, 1, 1], [], []>, transpose_lhs_hint = false} : vector<256x256xf32>, vector<256x64xf32>, vector<256x64xf32> -> vector<256x64xf32>
    %add3A_102 = vector.broadcast %add3A_85 : vector<1x64xf32> to vector<256x64xf32>
    %add3A_103 = arith.addf %dot_general3A_101, %add3A_102 : vector<256x64xf32>
    %reduce_sum3A_104 = arith.constant dense<0.000000e+00> : vector<64xf32>
    %reduce_sum3A_105 = vector.multi_reduction <add>, %slice3A_99, %reduce_sum3A_104 [0] : vector<256x64xf32> to vector<64xf32>
    %broadcast_in_dim3A_106 = vector.shape_cast %reduce_sum3A_105 : vector<64xf32> to vector<1x64xf32>
    %add3A_107 = arith.addf %add3A_85, %broadcast_in_dim3A_106 : vector<1x64xf32>
    %add3A_108 = vector.broadcast %add3A : vector<1x64xf32> to vector<256x64xf32>
    %add3A_109 = arith.addf %add3A_103, %add3A_108 : vector<256x64xf32>
    %mul3A_110 = arith.mulf %slice3A_99, %add3A_109 : vector<256x64xf32>
    %reduce_sum3A_111 = arith.constant dense<0.000000e+00> : vector<256xf32>
    %reduce_sum3A_112 = vector.multi_reduction <add>, %mul3A_110, %reduce_sum3A_111 [1] : vector<256x64xf32> to vector<256xf32>
    %broadcast_in_dim3A_113 = vector.shape_cast %reduce_sum3A_112 : vector<256xf32> to vector<256x1xf32>
    %add3A_114 = arith.constant 5.000000e-01 : f32
    %add3A_115 = vector.broadcast %add3A_114 : f32 to vector<256x1xf32>
    %add3A_116 = arith.addf %broadcast_in_dim3A_113, %add3A_115 : vector<256x1xf32>
    %convert_element_type3A_117 = arith.fptosi %add3A_116 : vector<256x1xf32> to vector<256x1xi32>
    %swap3A_118 = arith.constant 512 : index
    %swap3A_119 = arith.constant 0 : index
    %swap3A_120 = vector.load %arg3[%swap3A_118, %swap3A_119] : memref<2048x1xi32, #tpu.memory_space<vmem>>, vector<256x1xi32>
    tpu.vector_store %arg3[%swap3A_118, %swap3A_119], %convert_element_type3A_117 {strides = array<i32>} : memref<2048x1xi32, #tpu.memory_space<vmem>>, vector<256x1xi32>,
    %slice3A_121 = vector.extract_strided_slice %convert_element_type3A_15 {offsets = [768, 0], sizes = [256, 64], strides = [1, 1]} : vector<2048x64xf32> to vector<256x64xf32>
    %dot_general3A_122 = arith.constant dense<0.000000e+00> : vector<256x64xf32>
    %dot_general3A_123 = tpu.matmul %convert_element_type3A_53, %slice3A_121, %dot_general3A_122 {dimension_numbers = #tpu.dot_dimension_numbers<[1], [0], [0], [1], [0, 0, 1, 1], [], []>, transpose_lhs_hint = false} : vector<256x256xf32>, vector<256x64xf32>, vector<256x64xf32> -> vector<256x64xf32>
    %add3A_124 = vector.broadcast %add3A_107 : vector<1x64xf32> to vector<256x64xf32>
    %add3A_125 = arith.addf %dot_general3A_123, %add3A_124 : vector<256x64xf32>
    %reduce_sum3A_126 = arith.constant dense<0.000000e+00> : vector<64xf32>
    %reduce_sum3A_127 = vector.multi_reduction <add>, %slice3A_121, %reduce_sum3A_126 [0] : vector<256x64xf32> to vector<64xf32>
    %broadcast_in_dim3A_128 = vector.shape_cast %reduce_sum3A_127 : vector<64xf32> to vector<1x64xf32>
    %add3A_129 = arith.addf %add3A_107, %broadcast_in_dim3A_128 : vector<1x64xf32>
    %add3A_130 = vector.broadcast %add3A : vector<1x64xf32> to vector<256x64xf32>
    %add3A_131 = arith.addf %add3A_125, %add3A_130 : vector<256x64xf32>
    %mul3A_132 = arith.mulf %slice3A_121, %add3A_131 : vector<256x64xf32>
    %reduce_sum3A_133 = arith.constant dense<0.000000e+00> : vector<256xf32>
    %reduce_sum3A_134 = vector.multi_reduction <add>, %mul3A_132, %reduce_sum3A_133 [1] : vector<256x64xf32> to vector<256xf32>
    %broadcast_in_dim3A_135 = vector.shape_cast %reduce_sum3A_134 : vector<256xf32> to vector<256x1xf32>
    %add3A_136 = arith.constant 5.000000e-01 : f32
    %add3A_137 = vector.broadcast %add3A_136 : f32 to vector<256x1xf32>
    %add3A_138 = arith.addf %broadcast_in_dim3A_135, %add3A_137 : vector<256x1xf32>
    %convert_element_type3A_139 = arith.fptosi %add3A_138 : vector<256x1xf32> to vector<256x1xi32>
    %swap3A_140 = arith.constant 768 : index
    %swap3A_141 = arith.constant 0 : index
    %swap3A_142 = vector.load %arg3[%swap3A_140, %swap3A_141] : memref<2048x1xi32, #tpu.memory_space<vmem>>, vector<256x1xi32>
    tpu.vector_store %arg3[%swap3A_140, %swap3A_141], %convert_element_type3A_139 {strides = array<i32>} : memref<2048x1xi32, #tpu.memory_space<vmem>>, vector<256x1xi32>,
    %slice3A_143 = vector.extract_strided_slice %convert_element_type3A_15 {offsets = [1024, 0], sizes = [256, 64], strides = [1, 1]} : vector<2048x64xf32> to vector<256x64xf32>
    %dot_general3A_144 = arith.constant dense<0.000000e+00> : vector<256x64xf32>
    %dot_general3A_145 = tpu.matmul %convert_element_type3A_53, %slice3A_143, %dot_general3A_144 {dimension_numbers = #tpu.dot_dimension_numbers<[1], [0], [0], [1], [0, 0, 1, 1], [], []>, transpose_lhs_hint = false} : vector<256x256xf32>, vector<256x64xf32>, vector<256x64xf32> -> vector<256x64xf32>
    %add3A_146 = vector.broadcast %add3A_129 : vector<1x64xf32> to vector<256x64xf32>
    %add3A_147 = arith.addf %dot_general3A_145, %add3A_146 : vector<256x64xf32>
    %reduce_sum3A_148 = arith.constant dense<0.000000e+00> : vector<64xf32>
    %reduce_sum3A_149 = vector.multi_reduction <add>, %slice3A_143, %reduce_sum3A_148 [0] : vector<256x64xf32> to vector<64xf32>
    %broadcast_in_dim3A_150 = vector.shape_cast %reduce_sum3A_149 : vector<64xf32> to vector<1x64xf32>
    %add3A_151 = arith.addf %add3A_129, %broadcast_in_dim3A_150 : vector<1x64xf32>
    %add3A_152 = vector.broadcast %add3A : vector<1x64xf32> to vector<256x64xf32>
    %add3A_153 = arith.addf %add3A_147, %add3A_152 : vector<256x64xf32>
    %mul3A_154 = arith.mulf %slice3A_143, %add3A_153 : vector<256x64xf32>
    %reduce_sum3A_155 = arith.constant dense<0.000000e+00> : vector<256xf32>
    %reduce_sum3A_156 = vector.multi_reduction <add>, %mul3A_154, %reduce_sum3A_155 [1] : vector<256x64xf32> to vector<256xf32>
    %broadcast_in_dim3A_157 = vector.shape_cast %reduce_sum3A_156 : vector<256xf32> to vector<256x1xf32>
    %add3A_158 = arith.constant 5.000000e-01 : f32
    %add3A_159 = vector.broadcast %add3A_158 : f32 to vector<256x1xf32>
    %add3A_160 = arith.addf %broadcast_in_dim3A_157, %add3A_159 : vector<256x1xf32>
    %convert_element_type3A_161 = arith.fptosi %add3A_160 : vector<256x1xf32> to vector<256x1xi32>
    %swap3A_162 = arith.constant 1024 : index
    %swap3A_163 = arith.constant 0 : index
    %swap3A_164 = vector.load %arg3[%swap3A_162, %swap3A_163] : memref<2048x1xi32, #tpu.memory_space<vmem>>, vector<256x1xi32>
    tpu.vector_store %arg3[%swap3A_162, %swap3A_163], %convert_element_type3A_161 {strides = array<i32>} : memref<2048x1xi32, #tpu.memory_space<vmem>>, vector<256x1xi32>,
    %slice3A_165 = vector.extract_strided_slice %convert_element_type3A_15 {offsets = [1280, 0], sizes = [256, 64], strides = [1, 1]} : vector<2048x64xf32> to vector<256x64xf32>
    %dot_general3A_166 = arith.constant dense<0.000000e+00> : vector<256x64xf32>
    %dot_general3A_167 = tpu.matmul %convert_element_type3A_53, %slice3A_165, %dot_general3A_166 {dimension_numbers = #tpu.dot_dimension_numbers<[1], [0], [0], [1], [0, 0, 1, 1], [], []>, transpose_lhs_hint = false} : vector<256x256xf32>, vector<256x64xf32>, vector<256x64xf32> -> vector<256x64xf32>
    %add3A_168 = vector.broadcast %add3A_151 : vector<1x64xf32> to vector<256x64xf32>
    %add3A_169 = arith.addf %dot_general3A_167, %add3A_168 : vector<256x64xf32>
    %reduce_sum3A_170 = arith.constant dense<0.000000e+00> : vector<64xf32>
    %reduce_sum3A_171 = vector.multi_reduction <add>, %slice3A_165, %reduce_sum3A_170 [0] : vector<256x64xf32> to vector<64xf32>
    %broadcast_in_dim3A_172 = vector.shape_cast %reduce_sum3A_171 : vector<64xf32> to vector<1x64xf32>
    %add3A_173 = arith.addf %add3A_151, %broadcast_in_dim3A_172 : vector<1x64xf32>
    %add3A_174 = vector.broadcast %add3A : vector<1x64xf32> to vector<256x64xf32>
    %add3A_175 = arith.addf %add3A_169, %add3A_174 : vector<256x64xf32>
    %mul3A_176 = arith.mulf %slice3A_165, %add3A_175 : vector<256x64xf32>
    %reduce_sum3A_177 = arith.constant dense<0.000000e+00> : vector<256xf32>
    %reduce_sum3A_178 = vector.multi_reduction <add>, %mul3A_176, %reduce_sum3A_177 [1] : vector<256x64xf32> to vector<256xf32>
    %broadcast_in_dim3A_179 = vector.shape_cast %reduce_sum3A_178 : vector<256xf32> to vector<256x1xf32>
    %add3A_180 = arith.constant 5.000000e-01 : f32
    %add3A_181 = vector.broadcast %add3A_180 : f32 to vector<256x1xf32>
    %add3A_182 = arith.addf %broadcast_in_dim3A_179, %add3A_181 : vector<256x1xf32>
    %convert_element_type3A_183 = arith.fptosi %add3A_182 : vector<256x1xf32> to vector<256x1xi32>
    %swap3A_184 = arith.constant 1280 : index
    %swap3A_185 = arith.constant 0 : index
    %swap3A_186 = vector.load %arg3[%swap3A_184, %swap3A_185] : memref<2048x1xi32, #tpu.memory_space<vmem>>, vector<256x1xi32>
    tpu.vector_store %arg3[%swap3A_184, %swap3A_185], %convert_element_type3A_183 {strides = array<i32>} : memref<2048x1xi32, #tpu.memory_space<vmem>>, vector<256x1xi32>,
    %slice3A_187 = vector.extract_strided_slice %convert_element_type3A_15 {offsets = [1536, 0], sizes = [256, 64], strides = [1, 1]} : vector<2048x64xf32> to vector<256x64xf32>
    %dot_general3A_188 = arith.constant dense<0.000000e+00> : vector<256x64xf32>
    %dot_general3A_189 = tpu.matmul %convert_element_type3A_53, %slice3A_187, %dot_general3A_188 {dimension_numbers = #tpu.dot_dimension_numbers<[1], [0], [0], [1], [0, 0, 1, 1], [], []>, transpose_lhs_hint = false} : vector<256x256xf32>, vector<256x64xf32>, vector<256x64xf32> -> vector<256x64xf32>
    %add3A_190 = vector.broadcast %add3A_173 : vector<1x64xf32> to vector<256x64xf32>
    %add3A_191 = arith.addf %dot_general3A_189, %add3A_190 : vector<256x64xf32>
    %reduce_sum3A_192 = arith.constant dense<0.000000e+00> : vector<64xf32>
    %reduce_sum3A_193 = vector.multi_reduction <add>, %slice3A_187, %reduce_sum3A_192 [0] : vector<256x64xf32> to vector<64xf32>
    %broadcast_in_dim3A_194 = vector.shape_cast %reduce_sum3A_193 : vector<64xf32> to vector<1x64xf32>
    %add3A_195 = arith.addf %add3A_173, %broadcast_in_dim3A_194 : vector<1x64xf32>
    %add3A_196 = vector.broadcast %add3A : vector<1x64xf32> to vector<256x64xf32>
    %add3A_197 = arith.addf %add3A_191, %add3A_196 : vector<256x64xf32>
    %mul3A_198 = arith.mulf %slice3A_187, %add3A_197 : vector<256x64xf32>
    %reduce_sum3A_199 = arith.constant dense<0.000000e+00> : vector<256xf32>
    %reduce_sum3A_200 = vector.multi_reduction <add>, %mul3A_198, %reduce_sum3A_199 [1] : vector<256x64xf32> to vector<256xf32>
    %broadcast_in_dim3A_201 = vector.shape_cast %reduce_sum3A_200 : vector<256xf32> to vector<256x1xf32>
    %add3A_202 = arith.constant 5.000000e-01 : f32
    %add3A_203 = vector.broadcast %add3A_202 : f32 to vector<256x1xf32>
    %add3A_204 = arith.addf %broadcast_in_dim3A_201, %add3A_203 : vector<256x1xf32>
    %convert_element_type3A_205 = arith.fptosi %add3A_204 : vector<256x1xf32> to vector<256x1xi32>
    %swap3A_206 = arith.constant 1536 : index
    %swap3A_207 = arith.constant 0 : index
    %swap3A_208 = vector.load %arg3[%swap3A_206, %swap3A_207] : memref<2048x1xi32, #tpu.memory_space<vmem>>, vector<256x1xi32>
    tpu.vector_store %arg3[%swap3A_206, %swap3A_207], %convert_element_type3A_205 {strides = array<i32>} : memref<2048x1xi32, #tpu.memory_space<vmem>>, vector<256x1xi32>,
    %slice3A_209 = vector.extract_strided_slice %convert_element_type3A_15 {offsets = [1792, 0], sizes = [256, 64], strides = [1, 1]} : vector<2048x64xf32> to vector<256x64xf32>
    %dot_general3A_210 = arith.constant dense<0.000000e+00> : vector<256x64xf32>
    %dot_general3A_211 = tpu.matmul %convert_element_type3A_53, %slice3A_209, %dot_general3A_210 {dimension_numbers = #tpu.dot_dimension_numbers<[1], [0], [0], [1], [0, 0, 1, 1], [], []>, transpose_lhs_hint = false} : vector<256x256xf32>, vector<256x64xf32>, vector<256x64xf32> -> vector<256x64xf32>
    %add3A_212 = vector.broadcast %add3A_195 : vector<1x64xf32> to vector<256x64xf32>
    %add3A_213 = arith.addf %dot_general3A_211, %add3A_212 : vector<256x64xf32>
    %add3A_214 = vector.broadcast %add3A : vector<1x64xf32> to vector<256x64xf32>
    %add3A_215 = arith.addf %add3A_213, %add3A_214 : vector<256x64xf32>
    %mul3A_216 = arith.mulf %slice3A_209, %add3A_215 : vector<256x64xf32>
    %reduce_sum3A_217 = arith.constant dense<0.000000e+00> : vector<256xf32>
    %reduce_sum3A_218 = vector.multi_reduction <add>, %mul3A_216, %reduce_sum3A_217 [1] : vector<256x64xf32> to vector<256xf32>
    %broadcast_in_dim3A_219 = vector.shape_cast %reduce_sum3A_218 : vector<256xf32> to vector<256x1xf32>
    %add3A_220 = arith.constant 5.000000e-01 : f32
    %add3A_221 = vector.broadcast %add3A_220 : f32 to vector<256x1xf32>
    %add3A_222 = arith.addf %broadcast_in_dim3A_219, %add3A_221 : vector<256x1xf32>
    %convert_element_type3A_223 = arith.fptosi %add3A_222 : vector<256x1xf32> to vector<256x1xi32>
    %swap3A_224 = arith.constant 1792 : index
    %swap3A_225 = arith.constant 0 : index
    %swap3A_226 = vector.load %arg3[%swap3A_224, %swap3A_225] : memref<2048x1xi32, #tpu.memory_space<vmem>>, vector<256x1xi32>
    tpu.vector_store %arg3[%swap3A_224, %swap3A_225], %convert_element_type3A_223 {strides = array<i32>} : memref<2048x1xi32, #tpu.memory_space<vmem>>, vector<256x1xi32>,
    %concatenate3A = tpu.concatenate %broadcast_in_dim3A_69, %broadcast_in_dim3A_91, %broadcast_in_dim3A_113, %broadcast_in_dim3A_135, %broadcast_in_dim3A_157, %broadcast_in_dim3A_179, %broadcast_in_dim3A_201, %broadcast_in_dim3A_219 in 0 : vector<256x1xf32>, vector<256x1xf32>, vector<256x1xf32>, vector<256x1xf32>, vector<256x1xf32>, vector<256x1xf32>, vector<256x1xf32>, vector<256x1xf32> -> vector<2048x1xf32>
    %add3A_227 = arith.constant 5.000000e-01 : f32
    %add3A_228 = vector.broadcast %add3A_227 : f32 to vector<2048x1xf32>
    %add3A_229 = arith.addf %concatenate3A, %add3A_228 : vector<2048x1xf32>
    %floor3A_230 = math.floor %add3A_229 : vector<2048x1xf32>
    %iota3A_231 = tpu.iota {dimensions = array<i32: 0>} : vector<2048x1xi32>
    %jit3A_232 = arith.constant 256 : i32
    %div3A = vector.broadcast %jit3A_232 : i32 to vector<2048x1xi32>
    %div3A_233 = arith.divsi %iota3A_231, %div3A : vector<2048x1xi32>
    %sign3A = arith.constant 0 : i32
    %sign3A_234 = vector.broadcast %sign3A : i32 to vector<2048x1xi32>
    %sign3A_235 = arith.cmpi sgt, %iota3A_231, %sign3A_234 : vector<2048x1xi32>
    %sign3A_236 = arith.extui %sign3A_235 : vector<2048x1xi1> to vector<2048x1xi32>
    %sign3A_237 = arith.constant 0 : i32
    %sign3A_238 = vector.broadcast %sign3A_237 : i32 to vector<2048x1xi32>
    %sign3A_239 = arith.cmpi slt, %iota3A_231, %sign3A_238 : vector<2048x1xi32>
    %sign3A_240 = arith.extui %sign3A_239 : vector<2048x1xi1> to vector<2048x1xi32>
    %sign3A_241 = arith.subi %sign3A_236, %sign3A_240 : vector<2048x1xi32>
    %sign3A_242 = arith.constant 0 : i32
    %sign3A_243 = arith.cmpi sgt, %jit3A_232, %sign3A_242 : i32
    %sign3A_244 = arith.extui %sign3A_243 : i1 to i32
    %sign3A_245 = arith.constant 0 : i32
    %sign3A_246 = arith.cmpi slt, %jit3A_232, %sign3A_245 : i32
    %sign3A_247 = arith.extui %sign3A_246 : i1 to i32
    %sign3A_248 = arith.subi %sign3A_244, %sign3A_247 : i32
    %ne3A = vector.broadcast %sign3A_248 : i32 to vector<2048x1xi32>
    %ne3A_249 = arith.cmpi ne, %sign3A_241, %ne3A : vector<2048x1xi32>
    %rem3A = vector.broadcast %jit3A_232 : i32 to vector<2048x1xi32>
    %rem3A_250 = arith.remsi %iota3A_231, %rem3A : vector<2048x1xi32>
    %ne3A_251 = arith.constant 0 : i32
    %ne3A_252 = vector.broadcast %ne3A_251 : i32 to vector<2048x1xi32>
    %ne3A_253 = arith.cmpi ne, %rem3A_250, %ne3A_252 : vector<2048x1xi32>
    %and3A = arith.andi %ne3A_249, %ne3A_253 : vector<2048x1xi1>
    %sub3A_254 = arith.constant 1 : i32
    %sub3A_255 = vector.broadcast %sub3A_254 : i32 to vector<2048x1xi32>
    %sub3A_256 = arith.subi %div3A_233, %sub3A_255 : vector<2048x1xi32>
    %select_n3A_257 = arith.select %and3A, %sub3A_256, %div3A_233 : vector<2048x1xi1>, vector<2048x1xi32>
    %convert_element_type3A_258 = arith.sitofp %select_n3A_257 : vector<2048x1xi32> to vector<2048x1xf32>
    %jit3A_259 = arith.constant 256 : i32
    %eq3A_260 = arith.constant 0 : i32
    %eq3A_261 = arith.cmpi eq, %jit3A_259, %eq3A_260 : i32
    %jit3A_262 = arith.constant 1 : i32
    %select_n3A_263 = arith.select %eq3A_261, %jit3A_262, %jit3A_259 : i32
    %rem3A_264 = vector.broadcast %select_n3A_263 : i32 to vector<2048x1xi32>
    %rem3A_265 = arith.remsi %iota3A_231, %rem3A_264 : vector<2048x1xi32>
    %ne3A_266 = arith.constant 0 : i32
    %ne3A_267 = vector.broadcast %ne3A_266 : i32 to vector<2048x1xi32>
    %ne3A_268 = arith.cmpi ne, %rem3A_265, %ne3A_267 : vector<2048x1xi32>
    %lt3A_269 = arith.constant 0 : i32
    %lt3A_270 = vector.broadcast %lt3A_269 : i32 to vector<2048x1xi32>
    %lt3A_271 = arith.cmpi slt, %rem3A_265, %lt3A_270 : vector<2048x1xi32>
    %lt3A_272 = arith.constant 0 : i32
    %lt3A_273 = arith.cmpi slt, %select_n3A_263, %lt3A_272 : i32
    %ne3A_274 = vector.broadcast %lt3A_273 : i1 to vector<2048x1xi1>
    %ne3A_275 = vector.broadcast %ne3A_274 : vector<2048x1xi1> to vector<2048x1xi1>
    %ne3A_276 = arith.xori %lt3A_271, %ne3A_275 : vector<2048x1xi1>
    %and3A_277 = arith.andi %ne3A_276, %ne3A_268 : vector<2048x1xi1>
    %add3A_278 = vector.broadcast %select_n3A_263 : i32 to vector<2048x1xi32>
    %add3A_279 = arith.addi %rem3A_265, %add3A_278 : vector<2048x1xi32>
    %select_n3A_280 = arith.select %and3A_277, %add3A_279, %rem3A_265 : vector<2048x1xi1>, vector<2048x1xi32>
    %convert_element_type3A_281 = arith.sitofp %select_n3A_280 : vector<2048x1xi32> to vector<2048x1xf32>
    %iota3A_282 = tpu.iota {dimensions = array<i32: 1>} : vector<2048x256xi32>
    %convert_element_type3A_283 = arith.sitofp %iota3A_282 : vector<2048x256xi32> to vector<2048x256xf32>
    %add3A_284 = arith.constant 0.000000e+00 : f32
    %add3A_285 = vector.broadcast %add3A_284 : f32 to vector<2048x256xf32>
    %add3A_286 = arith.addf %add3A_285, %convert_element_type3A_283 : vector<2048x256xf32>
    %eq3A_287 = vector.broadcast %floor3A_230 : vector<2048x1xf32> to vector<2048x256xf32>
    %eq3A_288 = arith.cmpf oeq, %eq3A_287, %add3A_286 : vector<2048x256xf32>
    %convert_element_type3A_289 = arith.extui %eq3A_288 : vector<2048x256xi1> to vector<2048x256xi32>
    %convert_element_type3A_290 = arith.sitofp %convert_element_type3A_289 : vector<2048x256xi32> to vector<2048x256xf32>
    %dot_general3A_291 = arith.constant dense<0.000000e+00> : vector<256x1xf32>
    %dot_general3A_292 = tpu.matmul %convert_element_type3A_290, %convert_element_type3A_258, %dot_general3A_291 {dimension_numbers = #tpu.dot_dimension_numbers<[0], [0], [1], [1], [0, 1, 1, 1], [], []>, transpose_lhs_hint = false} : vector<2048x256xf32>, vector<2048x1xf32>, vector<256x1xf32> -> vector<256x1xf32>
    %mul3A_293 = arith.constant 2.560000e+02 : f32
    %mul3A_294 = vector.broadcast %mul3A_293 : f32 to vector<256x1xf32>
    %mul3A_295 = arith.mulf %mul3A_294, %dot_general3A_292 : vector<256x1xf32>
    %dot_general3A_296 = arith.constant dense<0.000000e+00> : vector<256x1xf32>
    %dot_general3A_297 = tpu.matmul %convert_element_type3A_290, %convert_element_type3A_281, %dot_general3A_296 {dimension_numbers = #tpu.dot_dimension_numbers<[0], [0], [1], [1], [0, 1, 1, 1], [], []>, transpose_lhs_hint = false} : vector<2048x256xf32>, vector<2048x1xf32>, vector<256x1xf32> -> vector<256x1xf32>
    %add3A_298 = arith.addf %mul3A_295, %dot_general3A_297 : vector<256x1xf32>
    %add3A_299 = arith.constant 5.000000e-01 : f32
    %add3A_300 = vector.broadcast %add3A_299 : f32 to vector<256x1xf32>
    %add3A_301 = arith.addf %add3A_298, %add3A_300 : vector<256x1xf32>
    %convert_element_type3A_302 = arith.fptosi %add3A_301 : vector<256x1xf32> to vector<256x1xi32>
    %swap3A_303 = arith.constant 0 : index
    %swap3A_304 = arith.constant 0 : index
    %swap3A_305 = vector.load %arg4[%swap3A_303, %swap3A_304] : memref<2048x1xi32, #tpu.memory_space<vmem>>, vector<256x1xi32>
    tpu.vector_store %arg4[%swap3A_303, %swap3A_304], %convert_element_type3A_302 {strides = array<i32>} : memref<2048x1xi32, #tpu.memory_space<vmem>>, vector<256x1xi32>,
    %iota3A_306 = tpu.iota {dimensions = array<i32: 1>} : vector<2048x256xi32>
    %convert_element_type3A_307 = arith.sitofp %iota3A_306 : vector<2048x256xi32> to vector<2048x256xf32>
    %add3A_308 = arith.constant 2.560000e+02 : f32
    %add3A_309 = vector.broadcast %add3A_308 : f32 to vector<2048x256xf32>
    %add3A_310 = arith.addf %add3A_309, %convert_element_type3A_307 : vector<2048x256xf32>
    %eq3A_311 = vector.broadcast %floor3A_230 : vector<2048x1xf32> to vector<2048x256xf32>
    %eq3A_312 = arith.cmpf oeq, %eq3A_311, %add3A_310 : vector<2048x256xf32>
    %convert_element_type3A_313 = arith.extui %eq3A_312 : vector<2048x256xi1> to vector<2048x256xi32>
    %convert_element_type3A_314 = arith.sitofp %convert_element_type3A_313 : vector<2048x256xi32> to vector<2048x256xf32>
    %dot_general3A_315 = arith.constant dense<0.000000e+00> : vector<256x1xf32>
    %dot_general3A_316 = tpu.matmul %convert_element_type3A_314, %convert_element_type3A_258, %dot_general3A_315 {dimension_numbers = #tpu.dot_dimension_numbers<[0], [0], [1], [1], [0, 1, 1, 1], [], []>, transpose_lhs_hint = false} : vector<2048x256xf32>, vector<2048x1xf32>, vector<256x1xf32> -> vector<256x1xf32>
    %mul3A_317 = arith.constant 2.560000e+02 : f32
    %mul3A_318 = vector.broadcast %mul3A_317 : f32 to vector<256x1xf32>
    %mul3A_319 = arith.mulf %mul3A_318, %dot_general3A_316 : vector<256x1xf32>
    %dot_general3A_320 = arith.constant dense<0.000000e+00> : vector<256x1xf32>
    %dot_general3A_321 = tpu.matmul %convert_element_type3A_314, %convert_element_type3A_281, %dot_general3A_320 {dimension_numbers = #tpu.dot_dimension_numbers<[0], [0], [1], [1], [0, 1, 1, 1], [], []>, transpose_lhs_hint = false} : vector<2048x256xf32>, vector<2048x1xf32>, vector<256x1xf32> -> vector<256x1xf32>
    %add3A_322 = arith.addf %mul3A_319, %dot_general3A_321 : vector<256x1xf32>
    %add3A_323 = arith.constant 5.000000e-01 : f32
    %add3A_324 = vector.broadcast %add3A_323 : f32 to vector<256x1xf32>
    %add3A_325 = arith.addf %add3A_322, %add3A_324 : vector<256x1xf32>
    %convert_element_type3A_326 = arith.fptosi %add3A_325 : vector<256x1xf32> to vector<256x1xi32>
    %swap3A_327 = arith.constant 256 : index
    %swap3A_328 = arith.constant 0 : index
    %swap3A_329 = vector.load %arg4[%swap3A_327, %swap3A_328] : memref<2048x1xi32, #tpu.memory_space<vmem>>, vector<256x1xi32>
    tpu.vector_store %arg4[%swap3A_327, %swap3A_328], %convert_element_type3A_326 {strides = array<i32>} : memref<2048x1xi32, #tpu.memory_space<vmem>>, vector<256x1xi32>,
    %iota3A_330 = tpu.iota {dimensions = array<i32: 1>} : vector<2048x256xi32>
    %convert_element_type3A_331 = arith.sitofp %iota3A_330 : vector<2048x256xi32> to vector<2048x256xf32>
    %add3A_332 = arith.constant 5.120000e+02 : f32
    %add3A_333 = vector.broadcast %add3A_332 : f32 to vector<2048x256xf32>
    %add3A_334 = arith.addf %add3A_333, %convert_element_type3A_331 : vector<2048x256xf32>
    %eq3A_335 = vector.broadcast %floor3A_230 : vector<2048x1xf32> to vector<2048x256xf32>
    %eq3A_336 = arith.cmpf oeq, %eq3A_335, %add3A_334 : vector<2048x256xf32>
    %convert_element_type3A_337 = arith.extui %eq3A_336 : vector<2048x256xi1> to vector<2048x256xi32>
    %convert_element_type3A_338 = arith.sitofp %convert_element_type3A_337 : vector<2048x256xi32> to vector<2048x256xf32>
    %dot_general3A_339 = arith.constant dense<0.000000e+00> : vector<256x1xf32>
    %dot_general3A_340 = tpu.matmul %convert_element_type3A_338, %convert_element_type3A_258, %dot_general3A_339 {dimension_numbers = #tpu.dot_dimension_numbers<[0], [0], [1], [1], [0, 1, 1, 1], [], []>, transpose_lhs_hint = false} : vector<2048x256xf32>, vector<2048x1xf32>, vector<256x1xf32> -> vector<256x1xf32>
    %mul3A_341 = arith.constant 2.560000e+02 : f32
    %mul3A_342 = vector.broadcast %mul3A_341 : f32 to vector<256x1xf32>
    %mul3A_343 = arith.mulf %mul3A_342, %dot_general3A_340 : vector<256x1xf32>
    %dot_general3A_344 = arith.constant dense<0.000000e+00> : vector<256x1xf32>
    %dot_general3A_345 = tpu.matmul %convert_element_type3A_338, %convert_element_type3A_281, %dot_general3A_344 {dimension_numbers = #tpu.dot_dimension_numbers<[0], [0], [1], [1], [0, 1, 1, 1], [], []>, transpose_lhs_hint = false} : vector<2048x256xf32>, vector<2048x1xf32>, vector<256x1xf32> -> vector<256x1xf32>
    %add3A_346 = arith.addf %mul3A_343, %dot_general3A_345 : vector<256x1xf32>
    %add3A_347 = arith.constant 5.000000e-01 : f32
    %add3A_348 = vector.broadcast %add3A_347 : f32 to vector<256x1xf32>
    %add3A_349 = arith.addf %add3A_346, %add3A_348 : vector<256x1xf32>
    %convert_element_type3A_350 = arith.fptosi %add3A_349 : vector<256x1xf32> to vector<256x1xi32>
    %swap3A_351 = arith.constant 512 : index
    %swap3A_352 = arith.constant 0 : index
    %swap3A_353 = vector.load %arg4[%swap3A_351, %swap3A_352] : memref<2048x1xi32, #tpu.memory_space<vmem>>, vector<256x1xi32>
    tpu.vector_store %arg4[%swap3A_351, %swap3A_352], %convert_element_type3A_350 {strides = array<i32>} : memref<2048x1xi32, #tpu.memory_space<vmem>>, vector<256x1xi32>,
    %iota3A_354 = tpu.iota {dimensions = array<i32: 1>} : vector<2048x256xi32>
    %convert_element_type3A_355 = arith.sitofp %iota3A_354 : vector<2048x256xi32> to vector<2048x256xf32>
    %add3A_356 = arith.constant 7.680000e+02 : f32
    %add3A_357 = vector.broadcast %add3A_356 : f32 to vector<2048x256xf32>
    %add3A_358 = arith.addf %add3A_357, %convert_element_type3A_355 : vector<2048x256xf32>
    %eq3A_359 = vector.broadcast %floor3A_230 : vector<2048x1xf32> to vector<2048x256xf32>
    %eq3A_360 = arith.cmpf oeq, %eq3A_359, %add3A_358 : vector<2048x256xf32>
    %convert_element_type3A_361 = arith.extui %eq3A_360 : vector<2048x256xi1> to vector<2048x256xi32>
    %convert_element_type3A_362 = arith.sitofp %convert_element_type3A_361 : vector<2048x256xi32> to vector<2048x256xf32>
    %dot_general3A_363 = arith.constant dense<0.000000e+00> : vector<256x1xf32>
    %dot_general3A_364 = tpu.matmul %convert_element_type3A_362, %convert_element_type3A_258, %dot_general3A_363 {dimension_numbers = #tpu.dot_dimension_numbers<[0], [0], [1], [1], [0, 1, 1, 1], [], []>, transpose_lhs_hint = false} : vector<2048x256xf32>, vector<2048x1xf32>, vector<256x1xf32> -> vector<256x1xf32>
    %mul3A_365 = arith.constant 2.560000e+02 : f32
    %mul3A_366 = vector.broadcast %mul3A_365 : f32 to vector<256x1xf32>
    %mul3A_367 = arith.mulf %mul3A_366, %dot_general3A_364 : vector<256x1xf32>
    %dot_general3A_368 = arith.constant dense<0.000000e+00> : vector<256x1xf32>
    %dot_general3A_369 = tpu.matmul %convert_element_type3A_362, %convert_element_type3A_281, %dot_general3A_368 {dimension_numbers = #tpu.dot_dimension_numbers<[0], [0], [1], [1], [0, 1, 1, 1], [], []>, transpose_lhs_hint = false} : vector<2048x256xf32>, vector<2048x1xf32>, vector<256x1xf32> -> vector<256x1xf32>
    %add3A_370 = arith.addf %mul3A_367, %dot_general3A_369 : vector<256x1xf32>
    %add3A_371 = arith.constant 5.000000e-01 : f32
    %add3A_372 = vector.broadcast %add3A_371 : f32 to vector<256x1xf32>
    %add3A_373 = arith.addf %add3A_370, %add3A_372 : vector<256x1xf32>
    %convert_element_type3A_374 = arith.fptosi %add3A_373 : vector<256x1xf32> to vector<256x1xi32>
    %swap3A_375 = arith.constant 768 : index
    %swap3A_376 = arith.constant 0 : index
    %swap3A_377 = vector.load %arg4[%swap3A_375, %swap3A_376] : memref<2048x1xi32, #tpu.memory_space<vmem>>, vector<256x1xi32>
    tpu.vector_store %arg4[%swap3A_375, %swap3A_376], %convert_element_type3A_374 {strides = array<i32>} : memref<2048x1xi32, #tpu.memory_space<vmem>>, vector<256x1xi32>,
    %iota3A_378 = tpu.iota {dimensions = array<i32: 1>} : vector<2048x256xi32>
    %convert_element_type3A_379 = arith.sitofp %iota3A_378 : vector<2048x256xi32> to vector<2048x256xf32>
    %add3A_380 = arith.constant 1.024000e+03 : f32
    %add3A_381 = vector.broadcast %add3A_380 : f32 to vector<2048x256xf32>
    %add3A_382 = arith.addf %add3A_381, %convert_element_type3A_379 : vector<2048x256xf32>
    %eq3A_383 = vector.broadcast %floor3A_230 : vector<2048x1xf32> to vector<2048x256xf32>
    %eq3A_384 = arith.cmpf oeq, %eq3A_383, %add3A_382 : vector<2048x256xf32>
    %convert_element_type3A_385 = arith.extui %eq3A_384 : vector<2048x256xi1> to vector<2048x256xi32>
    %convert_element_type3A_386 = arith.sitofp %convert_element_type3A_385 : vector<2048x256xi32> to vector<2048x256xf32>
    %dot_general3A_387 = arith.constant dense<0.000000e+00> : vector<256x1xf32>
    %dot_general3A_388 = tpu.matmul %convert_element_type3A_386, %convert_element_type3A_258, %dot_general3A_387 {dimension_numbers = #tpu.dot_dimension_numbers<[0], [0], [1], [1], [0, 1, 1, 1], [], []>, transpose_lhs_hint = false} : vector<2048x256xf32>, vector<2048x1xf32>, vector<256x1xf32> -> vector<256x1xf32>
    %mul3A_389 = arith.constant 2.560000e+02 : f32
    %mul3A_390 = vector.broadcast %mul3A_389 : f32 to vector<256x1xf32>
    %mul3A_391 = arith.mulf %mul3A_390, %dot_general3A_388 : vector<256x1xf32>
    %dot_general3A_392 = arith.constant dense<0.000000e+00> : vector<256x1xf32>
    %dot_general3A_393 = tpu.matmul %convert_element_type3A_386, %convert_element_type3A_281, %dot_general3A_392 {dimension_numbers = #tpu.dot_dimension_numbers<[0], [0], [1], [1], [0, 1, 1, 1], [], []>, transpose_lhs_hint = false} : vector<2048x256xf32>, vector<2048x1xf32>, vector<256x1xf32> -> vector<256x1xf32>
    %add3A_394 = arith.addf %mul3A_391, %dot_general3A_393 : vector<256x1xf32>
    %add3A_395 = arith.constant 5.000000e-01 : f32
    %add3A_396 = vector.broadcast %add3A_395 : f32 to vector<256x1xf32>
    %add3A_397 = arith.addf %add3A_394, %add3A_396 : vector<256x1xf32>
    %convert_element_type3A_398 = arith.fptosi %add3A_397 : vector<256x1xf32> to vector<256x1xi32>
    %swap3A_399 = arith.constant 1024 : index
    %swap3A_400 = arith.constant 0 : index
    %swap3A_401 = vector.load %arg4[%swap3A_399, %swap3A_400] : memref<2048x1xi32, #tpu.memory_space<vmem>>, vector<256x1xi32>
    tpu.vector_store %arg4[%swap3A_399, %swap3A_400], %convert_element_type3A_398 {strides = array<i32>} : memref<2048x1xi32, #tpu.memory_space<vmem>>, vector<256x1xi32>,
    %iota3A_402 = tpu.iota {dimensions = array<i32: 1>} : vector<2048x256xi32>
    %convert_element_type3A_403 = arith.sitofp %iota3A_402 : vector<2048x256xi32> to vector<2048x256xf32>
    %add3A_404 = arith.constant 1.280000e+03 : f32
    %add3A_405 = vector.broadcast %add3A_404 : f32 to vector<2048x256xf32>
    %add3A_406 = arith.addf %add3A_405, %convert_element_type3A_403 : vector<2048x256xf32>
    %eq3A_407 = vector.broadcast %floor3A_230 : vector<2048x1xf32> to vector<2048x256xf32>
    %eq3A_408 = arith.cmpf oeq, %eq3A_407, %add3A_406 : vector<2048x256xf32>
    %convert_element_type3A_409 = arith.extui %eq3A_408 : vector<2048x256xi1> to vector<2048x256xi32>
    %convert_element_type3A_410 = arith.sitofp %convert_element_type3A_409 : vector<2048x256xi32> to vector<2048x256xf32>
    %dot_general3A_411 = arith.constant dense<0.000000e+00> : vector<256x1xf32>
    %dot_general3A_412 = tpu.matmul %convert_element_type3A_410, %convert_element_type3A_258, %dot_general3A_411 {dimension_numbers = #tpu.dot_dimension_numbers<[0], [0], [1], [1], [0, 1, 1, 1], [], []>, transpose_lhs_hint = false} : vector<2048x256xf32>, vector<2048x1xf32>, vector<256x1xf32> -> vector<256x1xf32>
    %mul3A_413 = arith.constant 2.560000e+02 : f32
    %mul3A_414 = vector.broadcast %mul3A_413 : f32 to vector<256x1xf32>
    %mul3A_415 = arith.mulf %mul3A_414, %dot_general3A_412 : vector<256x1xf32>
    %dot_general3A_416 = arith.constant dense<0.000000e+00> : vector<256x1xf32>
    %dot_general3A_417 = tpu.matmul %convert_element_type3A_410, %convert_element_type3A_281, %dot_general3A_416 {dimension_numbers = #tpu.dot_dimension_numbers<[0], [0], [1], [1], [0, 1, 1, 1], [], []>, transpose_lhs_hint = false} : vector<2048x256xf32>, vector<2048x1xf32>, vector<256x1xf32> -> vector<256x1xf32>
    %add3A_418 = arith.addf %mul3A_415, %dot_general3A_417 : vector<256x1xf32>
    %add3A_419 = arith.constant 5.000000e-01 : f32
    %add3A_420 = vector.broadcast %add3A_419 : f32 to vector<256x1xf32>
    %add3A_421 = arith.addf %add3A_418, %add3A_420 : vector<256x1xf32>
    %convert_element_type3A_422 = arith.fptosi %add3A_421 : vector<256x1xf32> to vector<256x1xi32>
    %swap3A_423 = arith.constant 1280 : index
    %swap3A_424 = arith.constant 0 : index
    %swap3A_425 = vector.load %arg4[%swap3A_423, %swap3A_424] : memref<2048x1xi32, #tpu.memory_space<vmem>>, vector<256x1xi32>
    tpu.vector_store %arg4[%swap3A_423, %swap3A_424], %convert_element_type3A_422 {strides = array<i32>} : memref<2048x1xi32, #tpu.memory_space<vmem>>, vector<256x1xi32>,
    %iota3A_426 = tpu.iota {dimensions = array<i32: 1>} : vector<2048x256xi32>
    %convert_element_type3A_427 = arith.sitofp %iota3A_426 : vector<2048x256xi32> to vector<2048x256xf32>
    %add3A_428 = arith.constant 1.536000e+03 : f32
    %add3A_429 = vector.broadcast %add3A_428 : f32 to vector<2048x256xf32>
    %add3A_430 = arith.addf %add3A_429, %convert_element_type3A_427 : vector<2048x256xf32>
    %eq3A_431 = vector.broadcast %floor3A_230 : vector<2048x1xf32> to vector<2048x256xf32>
    %eq3A_432 = arith.cmpf oeq, %eq3A_431, %add3A_430 : vector<2048x256xf32>
    %convert_element_type3A_433 = arith.extui %eq3A_432 : vector<2048x256xi1> to vector<2048x256xi32>
    %convert_element_type3A_434 = arith.sitofp %convert_element_type3A_433 : vector<2048x256xi32> to vector<2048x256xf32>
    %dot_general3A_435 = arith.constant dense<0.000000e+00> : vector<256x1xf32>
    %dot_general3A_436 = tpu.matmul %convert_element_type3A_434, %convert_element_type3A_258, %dot_general3A_435 {dimension_numbers = #tpu.dot_dimension_numbers<[0], [0], [1], [1], [0, 1, 1, 1], [], []>, transpose_lhs_hint = false} : vector<2048x256xf32>, vector<2048x1xf32>, vector<256x1xf32> -> vector<256x1xf32>
    %mul3A_437 = arith.constant 2.560000e+02 : f32
    %mul3A_438 = vector.broadcast %mul3A_437 : f32 to vector<256x1xf32>
    %mul3A_439 = arith.mulf %mul3A_438, %dot_general3A_436 : vector<256x1xf32>
    %dot_general3A_440 = arith.constant dense<0.000000e+00> : vector<256x1xf32>
    %dot_general3A_441 = tpu.matmul %convert_element_type3A_434, %convert_element_type3A_281, %dot_general3A_440 {dimension_numbers = #tpu.dot_dimension_numbers<[0], [0], [1], [1], [0, 1, 1, 1], [], []>, transpose_lhs_hint = false} : vector<2048x256xf32>, vector<2048x1xf32>, vector<256x1xf32> -> vector<256x1xf32>
    %add3A_442 = arith.addf %mul3A_439, %dot_general3A_441 : vector<256x1xf32>
    %add3A_443 = arith.constant 5.000000e-01 : f32
    %add3A_444 = vector.broadcast %add3A_443 : f32 to vector<256x1xf32>
    %add3A_445 = arith.addf %add3A_442, %add3A_444 : vector<256x1xf32>
    %convert_element_type3A_446 = arith.fptosi %add3A_445 : vector<256x1xf32> to vector<256x1xi32>
    %swap3A_447 = arith.constant 1536 : index
    %swap3A_448 = arith.constant 0 : index
    %swap3A_449 = vector.load %arg4[%swap3A_447, %swap3A_448] : memref<2048x1xi32, #tpu.memory_space<vmem>>, vector<256x1xi32>
    tpu.vector_store %arg4[%swap3A_447, %swap3A_448], %convert_element_type3A_446 {strides = array<i32>} : memref<2048x1xi32, #tpu.memory_space<vmem>>, vector<256x1xi32>,
    %iota3A_450 = tpu.iota {dimensions = array<i32: 1>} : vector<2048x256xi32>
    %convert_element_type3A_451 = arith.sitofp %iota3A_450 : vector<2048x256xi32> to vector<2048x256xf32>
    %add3A_452 = arith.constant 1.792000e+03 : f32
    %add3A_453 = vector.broadcast %add3A_452 : f32 to vector<2048x256xf32>
    %add3A_454 = arith.addf %add3A_453, %convert_element_type3A_451 : vector<2048x256xf32>
    %eq3A_455 = vector.broadcast %floor3A_230 : vector<2048x1xf32> to vector<2048x256xf32>
    %eq3A_456 = arith.cmpf oeq, %eq3A_455, %add3A_454 : vector<2048x256xf32>
    %convert_element_type3A_457 = arith.extui %eq3A_456 : vector<2048x256xi1> to vector<2048x256xi32>
    %convert_element_type3A_458 = arith.sitofp %convert_element_type3A_457 : vector<2048x256xi32> to vector<2048x256xf32>
    %dot_general3A_459 = arith.constant dense<0.000000e+00> : vector<256x1xf32>
    %dot_general3A_460 = tpu.matmul %convert_element_type3A_458, %convert_element_type3A_258, %dot_general3A_459 {dimension_numbers = #tpu.dot_dimension_numbers<[0], [0], [1], [1], [0, 1, 1, 1], [], []>, transpose_lhs_hint = false} : vector<2048x256xf32>, vector<2048x1xf32>, vector<256x1xf32> -> vector<256x1xf32>
    %mul3A_461 = arith.constant 2.560000e+02 : f32
    %mul3A_462 = vector.broadcast %mul3A_461 : f32 to vector<256x1xf32>
    %mul3A_463 = arith.mulf %mul3A_462, %dot_general3A_460 : vector<256x1xf32>
    %dot_general3A_464 = arith.constant dense<0.000000e+00> : vector<256x1xf32>
    %dot_general3A_465 = tpu.matmul %convert_element_type3A_458, %convert_element_type3A_281, %dot_general3A_464 {dimension_numbers = #tpu.dot_dimension_numbers<[0], [0], [1], [1], [0, 1, 1, 1], [], []>, transpose_lhs_hint = false} : vector<2048x256xf32>, vector<2048x1xf32>, vector<256x1xf32> -> vector<256x1xf32>
    %add3A_466 = arith.addf %mul3A_463, %dot_general3A_465 : vector<256x1xf32>
    %add3A_467 = arith.constant 5.000000e-01 : f32
    %add3A_468 = vector.broadcast %add3A_467 : f32 to vector<256x1xf32>
    %add3A_469 = arith.addf %add3A_466, %add3A_468 : vector<256x1xf32>
    %convert_element_type3A_470 = arith.fptosi %add3A_469 : vector<256x1xf32> to vector<256x1xi32>
    %swap3A_471 = arith.constant 1792 : index
    %swap3A_472 = arith.constant 0 : index
    %swap3A_473 = vector.load %arg4[%swap3A_471, %swap3A_472] : memref<2048x1xi32, #tpu.memory_space<vmem>>, vector<256x1xi32>
    tpu.vector_store %arg4[%swap3A_471, %swap3A_472], %convert_element_type3A_470 {strides = array<i32>} : memref<2048x1xi32, #tpu.memory_space<vmem>>, vector<256x1xi32>,
    return
  }
}

module attributes {stable_mosaic.version = 14 : i64} {
  func.func @_expert_body(%arg0: i32, %arg1: i32, %arg2: memref<1x64xi32, #tpu.memory_space<smem>>, %arg3: memref<1x64xi32, #tpu.memory_space<smem>>, %arg4: memref<2048x768xf32, #tpu.memory_space<vmem>>, %arg5: memref<1x1536x768xf32, #tpu.memory_space<vmem>>, %arg6: memref<1x1x1536xf32, #tpu.memory_space<vmem>>, %arg7: memref<1x768x1536xf32, #tpu.memory_space<vmem>>, %arg8: memref<1x1x768xf32, #tpu.memory_space<vmem>>, %arg9: memref<2048x768xf32, #tpu.memory_space<vmem>>) attributes {dimension_semantics = [#tpu.dimension_semantics<arbitrary>, #tpu.dimension_semantics<arbitrary>], iteration_bounds = array<i64: 64, 2>, scalar_prefetch = 0 : i64, scratch_operands = 0 : i64, tpu.core_type = #tpu.core_type<tc>, window_params = [{transform_indices = @transform_0, window_bounds = array<i64: 1, 64>}, {transform_indices = @transform_1, window_bounds = array<i64: 1, 64>}, {pipeline_mode = #tpu.pipeline_mode<synchronous>, transform_indices = @transform_2, window_bounds = array<i64: 2048, 768>}, {transform_indices = @transform_3, window_bounds = array<i64: 1, 1536, 768>}, {transform_indices = @transform_4, window_bounds = array<i64: 1, 1, 1536>}, {transform_indices = @transform_5, window_bounds = array<i64: 1, 768, 1536>}, {transform_indices = @transform_6, window_bounds = array<i64: 1, 1, 768>}, {pipeline_mode = #tpu.pipeline_mode<synchronous>, transform_indices = @transform_7, window_bounds = array<i64: 2048, 768>}]} {
    %eq3A = arith.constant 0 : i32
    %eq3A_0 = arith.cmpi eq, %arg0, %eq3A : i32
    %eq3A_1 = arith.constant 0 : i32
    %eq3A_2 = arith.cmpi eq, %arg1, %eq3A_1 : i32
    %and3A = arith.andi %eq3A_0, %eq3A_2 : i1
    %convert_element_type3A = arith.extui %and3A : i1 to i32
    %cond3A = arith.constant 0 : i32
    %cond3A_3 = arith.cmpi ne, %convert_element_type3A, %cond3A : i32
    scf.if %cond3A_3 {
      %broadcast_in_dim3A = arith.constant 0.000000e+00 : f32
      %broadcast_in_dim3A_99 = vector.broadcast %broadcast_in_dim3A : f32 to vector<2048x768xf32>
      %swap3A = arith.constant 0 : index
      %swap3A_100 = arith.constant 0 : index
      %swap3A_101 = vector.load %arg9[%swap3A, %swap3A_100] : memref<2048x768xf32, #tpu.memory_space<vmem>>, vector<2048x768xf32>
      tpu.vector_store %arg9[%swap3A, %swap3A_100], %broadcast_in_dim3A_99 {strides = array<i32>} : memref<2048x768xf32, #tpu.memory_space<vmem>>, vector<2048x768xf32>,
    } else {
    }
    %get3A = arith.constant 0 : index
    %get3A_4 = arith.index_cast %arg0 : i32 to index
    %get3A_5 = memref.load %arg2[%get3A, %get3A_4] : memref<1x64xi32, #tpu.memory_space<smem>>
    %get3A_6 = arith.constant 0 : index
    %get3A_7 = arith.index_cast %arg0 : i32 to index
    %get3A_8 = memref.load %arg3[%get3A_6, %get3A_7] : memref<1x64xi32, #tpu.memory_space<smem>>
    %get3A_9 = arith.constant 0 : index
    %get3A_10 = arith.constant 0 : index
    %get3A_11 = arith.constant 0 : index
    %get3A_12 = vector.load %arg5[%get3A_9, %get3A_10, %get3A_11] : memref<1x1536x768xf32, #tpu.memory_space<vmem>>, vector<1x1536x768xf32>
    %get3A_13 = vector.shape_cast %get3A_12 : vector<1x1536x768xf32> to vector<1536x768xf32>
    %convert_element_type3A_14 = arith.truncf %get3A_13 : vector<1536x768xf32> to vector<1536x768xbf16>
    %get3A_15 = arith.constant 0 : index
    %get3A_16 = arith.constant 0 : index
    %get3A_17 = arith.constant 0 : index
    %get3A_18 = vector.load %arg7[%get3A_15, %get3A_16, %get3A_17] : memref<1x768x1536xf32, #tpu.memory_space<vmem>>, vector<1x768x1536xf32>
    %get3A_19 = vector.shape_cast %get3A_18 : vector<1x768x1536xf32> to vector<768x1536xf32>
    %convert_element_type3A_20 = arith.truncf %get3A_19 : vector<768x1536xf32> to vector<768x1536xbf16>
    %get3A_21 = arith.constant 0 : index
    %get3A_22 = arith.constant 0 : index
    %get3A_23 = arith.constant 0 : index
    %get3A_24 = vector.load %arg6[%get3A_21, %get3A_22, %get3A_23] : memref<1x1x1536xf32, #tpu.memory_space<vmem>>, vector<1x1x1536xf32>
    %get3A_25 = vector.shape_cast %get3A_24 : vector<1x1x1536xf32> to vector<1x1536xf32>
    %get3A_26 = arith.constant 0 : index
    %get3A_27 = arith.constant 0 : index
    %get3A_28 = arith.constant 0 : index
    %get3A_29 = vector.load %arg8[%get3A_26, %get3A_27, %get3A_28] : memref<1x1x768xf32, #tpu.memory_space<vmem>>, vector<1x1x768xf32>
    %get3A_30 = vector.shape_cast %get3A_29 : vector<1x1x768xf32> to vector<1x768xf32>
    %eq3A_31 = arith.constant 0 : i32
    %eq3A_32 = arith.cmpi eq, %arg1, %eq3A_31 : i32
    %convert_element_type3A_33 = arith.extui %eq3A_32 : i1 to i32
    %convert_element_type3A_34 = arith.sitofp %convert_element_type3A_33 : i32 to f32
    %mul3A = vector.broadcast %convert_element_type3A_34 : f32 to vector<1x768xf32>
    %mul3A_35 = arith.mulf %get3A_30, %mul3A : vector<1x768xf32>
    %jit3A = arith.constant 256 : i32
    %div3A = arith.divsi %get3A_5, %jit3A : i32
    %sign3A = arith.constant 0 : i32
    %sign3A_36 = arith.cmpi sgt, %get3A_5, %sign3A : i32
    %sign3A_37 = arith.extui %sign3A_36 : i1 to i32
    %sign3A_38 = arith.constant 0 : i32
    %sign3A_39 = arith.cmpi slt, %get3A_5, %sign3A_38 : i32
    %sign3A_40 = arith.extui %sign3A_39 : i1 to i32
    %sign3A_41 = arith.subi %sign3A_37, %sign3A_40 : i32
    %sign3A_42 = arith.constant 0 : i32
    %sign3A_43 = arith.cmpi sgt, %jit3A, %sign3A_42 : i32
    %sign3A_44 = arith.extui %sign3A_43 : i1 to i32
    %sign3A_45 = arith.constant 0 : i32
    %sign3A_46 = arith.cmpi slt, %jit3A, %sign3A_45 : i32
    %sign3A_47 = arith.extui %sign3A_46 : i1 to i32
    %sign3A_48 = arith.subi %sign3A_44, %sign3A_47 : i32
    %ne3A = arith.cmpi ne, %sign3A_41, %sign3A_48 : i32
    %rem3A = arith.remsi %get3A_5, %jit3A : i32
    %ne3A_49 = arith.constant 0 : i32
    %ne3A_50 = arith.cmpi ne, %rem3A, %ne3A_49 : i32
    %and3A_51 = arith.andi %ne3A, %ne3A_50 : i1
    %sub3A = arith.constant 1 : i32
    %sub3A_52 = arith.subi %div3A, %sub3A : i32
    %select_n3A = arith.select %and3A_51, %sub3A_52, %div3A : i32
    %add3A = arith.constant 256 : i32
    %add3A_53 = arith.addi %get3A_8, %add3A : i32
    %sub3A_54 = arith.constant 1 : i32
    %sub3A_55 = arith.subi %add3A_53, %sub3A_54 : i32
    %jit3A_56 = arith.constant 256 : i32
    %div3A_57 = arith.divsi %sub3A_55, %jit3A_56 : i32
    %sign3A_58 = arith.constant 0 : i32
    %sign3A_59 = arith.cmpi sgt, %sub3A_55, %sign3A_58 : i32
    %sign3A_60 = arith.extui %sign3A_59 : i1 to i32
    %sign3A_61 = arith.constant 0 : i32
    %sign3A_62 = arith.cmpi slt, %sub3A_55, %sign3A_61 : i32
    %sign3A_63 = arith.extui %sign3A_62 : i1 to i32
    %sign3A_64 = arith.subi %sign3A_60, %sign3A_63 : i32
    %sign3A_65 = arith.constant 0 : i32
    %sign3A_66 = arith.cmpi sgt, %jit3A_56, %sign3A_65 : i32
    %sign3A_67 = arith.extui %sign3A_66 : i1 to i32
    %sign3A_68 = arith.constant 0 : i32
    %sign3A_69 = arith.cmpi slt, %jit3A_56, %sign3A_68 : i32
    %sign3A_70 = arith.extui %sign3A_69 : i1 to i32
    %sign3A_71 = arith.subi %sign3A_67, %sign3A_70 : i32
    %ne3A_72 = arith.cmpi ne, %sign3A_64, %sign3A_71 : i32
    %rem3A_73 = arith.remsi %sub3A_55, %jit3A_56 : i32
    %ne3A_74 = arith.constant 0 : i32
    %ne3A_75 = arith.cmpi ne, %rem3A_73, %ne3A_74 : i32
    %and3A_76 = arith.andi %ne3A_72, %ne3A_75 : i1
    %sub3A_77 = arith.constant 1 : i32
    %sub3A_78 = arith.subi %div3A_57, %sub3A_77 : i32
    %select_n3A_79 = arith.select %and3A_76, %sub3A_78, %div3A_57 : i32
    %gt3A = arith.cmpi sgt, %select_n3A_79, %select_n3A : i32
    %convert_element_type3A_80 = arith.extui %gt3A : i1 to i32
    %cond3A_81 = arith.constant 0 : i32
    %cond3A_82 = arith.cmpi ne, %convert_element_type3A_80, %cond3A_81 : i32
    scf.if %cond3A_82 {
      %mul3A_99 = arith.constant 256 : i32
      %mul3A_100 = arith.muli %select_n3A, %mul3A_99 : i32
      %get3A_101 = arith.index_cast %mul3A_100 : i32 to index
      %get3A_102 = arith.constant 0 : index
      %get3A_103 = vector.load %arg4[%get3A_101, %get3A_102] : memref<2048x768xf32, #tpu.memory_space<vmem>>, vector<256x768xf32>
      %convert_element_type3A_104 = arith.truncf %get3A_103 : vector<256x768xf32> to vector<256x768xbf16>
      %dot_general3A = arith.constant dense<0.000000e+00> : vector<256x1536xf32>
      %dot_general3A_105 = tpu.matmul %convert_element_type3A_104, %convert_element_type3A_14, %dot_general3A {dimension_numbers = #tpu.dot_dimension_numbers<[1], [1], [0], [0], [0, 0, 1, 0], [], []>, transpose_lhs_hint = false} : vector<256x768xbf16>, vector<1536x768xbf16>, vector<256x1536xf32> -> vector<256x1536xf32>
      %add3A_106 = vector.broadcast %get3A_25 : vector<1x1536xf32> to vector<256x1536xf32>
      %add3A_107 = arith.addf %dot_general3A_105, %add3A_106 : vector<256x1536xf32>
      %max3A = arith.constant 0.000000e+00 : f32
      %max3A_108 = vector.broadcast %max3A : f32 to vector<256x1536xf32>
      %max3A_109 = arith.maximumf %add3A_107, %max3A_108 : vector<256x1536xf32>
      %convert_element_type3A_110 = arith.truncf %max3A_109 : vector<256x1536xf32> to vector<256x1536xbf16>
      %dot_general3A_111 = arith.constant dense<0.000000e+00> : vector<256x768xf32>
      %dot_general3A_112 = tpu.matmul %convert_element_type3A_110, %convert_element_type3A_20, %dot_general3A_111 {dimension_numbers = #tpu.dot_dimension_numbers<[1], [1], [0], [0], [0, 0, 1, 0], [], []>, transpose_lhs_hint = false} : vector<256x1536xbf16>, vector<768x1536xbf16>, vector<256x768xf32> -> vector<256x768xf32>
      %add3A_113 = vector.broadcast %mul3A_35 : vector<1x768xf32> to vector<256x768xf32>
      %add3A_114 = arith.addf %dot_general3A_112, %add3A_113 : vector<256x768xf32>
      %iota3A = tpu.iota {dimensions = array<i32: 0>} : vector<256x1xi32>
      %add3A_115 = vector.broadcast %mul3A_100 : i32 to vector<256x1xi32>
      %add3A_116 = arith.addi %add3A_115, %iota3A : vector<256x1xi32>
      %ge3A = vector.broadcast %get3A_5 : i32 to vector<256x1xi32>
      %ge3A_117 = arith.cmpi sge, %add3A_116, %ge3A : vector<256x1xi32>
      %lt3A = vector.broadcast %get3A_8 : i32 to vector<256x1xi32>
      %lt3A_118 = arith.cmpi slt, %add3A_116, %lt3A : vector<256x1xi32>
      %and3A_119 = arith.andi %ge3A_117, %lt3A_118 : vector<256x1xi1>
      %get3A_120 = arith.index_cast %mul3A_100 : i32 to index
      %get3A_121 = arith.constant 0 : index
      %get3A_122 = vector.load %arg9[%get3A_120, %get3A_121] : memref<2048x768xf32, #tpu.memory_space<vmem>>, vector<256x768xf32>
      %jit3A_123 = arith.constant 0.000000e+00 : f32
      %broadcast_in_dim3A = vector.shape_cast %and3A_119 : vector<256x1xi1> to vector<256x1xi1>
      %broadcast_in_dim3A_124 = vector.broadcast %broadcast_in_dim3A : vector<256x1xi1> to vector<256x768xi1>
      %broadcast_in_dim3A_125 = vector.broadcast %jit3A_123 : f32 to vector<256x768xf32>
      %select_n3A_126 = arith.select %broadcast_in_dim3A_124, %add3A_114, %broadcast_in_dim3A_125 : vector<256x768xi1>, vector<256x768xf32>
      %add3A_127 = arith.addf %get3A_122, %select_n3A_126 : vector<256x768xf32>
      %swap3A = arith.index_cast %mul3A_100 : i32 to index
      %swap3A_128 = arith.constant 0 : index
      %swap3A_129 = vector.load %arg9[%swap3A, %swap3A_128] : memref<2048x768xf32, #tpu.memory_space<vmem>>, vector<256x768xf32>
      tpu.vector_store %arg9[%swap3A, %swap3A_128], %add3A_127 {strides = array<i32>} : memref<2048x768xf32, #tpu.memory_space<vmem>>, vector<256x768xf32>,
    } else {
    }
    %add3A_83 = arith.constant 1 : i32
    %add3A_84 = arith.addi %select_n3A, %add3A_83 : i32
    %gt3A_85 = arith.cmpi sgt, %select_n3A_79, %add3A_84 : i32
    %convert_element_type3A_86 = arith.extui %gt3A_85 : i1 to i32
    %cond3A_87 = arith.constant 0 : i32
    %cond3A_88 = arith.cmpi ne, %convert_element_type3A_86, %cond3A_87 : i32
    scf.if %cond3A_88 {
      %add3A_99 = arith.constant 1 : i32
      %add3A_100 = arith.addi %select_n3A, %add3A_99 : i32
      %mul3A_101 = arith.constant 256 : i32
      %mul3A_102 = arith.muli %add3A_100, %mul3A_101 : i32
      %get3A_103 = arith.index_cast %mul3A_102 : i32 to index
      %get3A_104 = arith.constant 0 : index
      %get3A_105 = vector.load %arg4[%get3A_103, %get3A_104] : memref<2048x768xf32, #tpu.memory_space<vmem>>, vector<256x768xf32>
      %convert_element_type3A_106 = arith.truncf %get3A_105 : vector<256x768xf32> to vector<256x768xbf16>
      %dot_general3A = arith.constant dense<0.000000e+00> : vector<256x1536xf32>
      %dot_general3A_107 = tpu.matmul %convert_element_type3A_106, %convert_element_type3A_14, %dot_general3A {dimension_numbers = #tpu.dot_dimension_numbers<[1], [1], [0], [0], [0, 0, 1, 0], [], []>, transpose_lhs_hint = false} : vector<256x768xbf16>, vector<1536x768xbf16>, vector<256x1536xf32> -> vector<256x1536xf32>
      %add3A_108 = vector.broadcast %get3A_25 : vector<1x1536xf32> to vector<256x1536xf32>
      %add3A_109 = arith.addf %dot_general3A_107, %add3A_108 : vector<256x1536xf32>
      %max3A = arith.constant 0.000000e+00 : f32
      %max3A_110 = vector.broadcast %max3A : f32 to vector<256x1536xf32>
      %max3A_111 = arith.maximumf %add3A_109, %max3A_110 : vector<256x1536xf32>
      %convert_element_type3A_112 = arith.truncf %max3A_111 : vector<256x1536xf32> to vector<256x1536xbf16>
      %dot_general3A_113 = arith.constant dense<0.000000e+00> : vector<256x768xf32>
      %dot_general3A_114 = tpu.matmul %convert_element_type3A_112, %convert_element_type3A_20, %dot_general3A_113 {dimension_numbers = #tpu.dot_dimension_numbers<[1], [1], [0], [0], [0, 0, 1, 0], [], []>, transpose_lhs_hint = false} : vector<256x1536xbf16>, vector<768x1536xbf16>, vector<256x768xf32> -> vector<256x768xf32>
      %add3A_115 = vector.broadcast %mul3A_35 : vector<1x768xf32> to vector<256x768xf32>
      %add3A_116 = arith.addf %dot_general3A_114, %add3A_115 : vector<256x768xf32>
      %iota3A = tpu.iota {dimensions = array<i32: 0>} : vector<256x1xi32>
      %add3A_117 = vector.broadcast %mul3A_102 : i32 to vector<256x1xi32>
      %add3A_118 = arith.addi %add3A_117, %iota3A : vector<256x1xi32>
      %ge3A = vector.broadcast %get3A_5 : i32 to vector<256x1xi32>
      %ge3A_119 = arith.cmpi sge, %add3A_118, %ge3A : vector<256x1xi32>
      %lt3A = vector.broadcast %get3A_8 : i32 to vector<256x1xi32>
      %lt3A_120 = arith.cmpi slt, %add3A_118, %lt3A : vector<256x1xi32>
      %and3A_121 = arith.andi %ge3A_119, %lt3A_120 : vector<256x1xi1>
      %get3A_122 = arith.index_cast %mul3A_102 : i32 to index
      %get3A_123 = arith.constant 0 : index
      %get3A_124 = vector.load %arg9[%get3A_122, %get3A_123] : memref<2048x768xf32, #tpu.memory_space<vmem>>, vector<256x768xf32>
      %jit3A_125 = arith.constant 0.000000e+00 : f32
      %broadcast_in_dim3A = vector.shape_cast %and3A_121 : vector<256x1xi1> to vector<256x1xi1>
      %broadcast_in_dim3A_126 = vector.broadcast %broadcast_in_dim3A : vector<256x1xi1> to vector<256x768xi1>
      %broadcast_in_dim3A_127 = vector.broadcast %jit3A_125 : f32 to vector<256x768xf32>
      %select_n3A_128 = arith.select %broadcast_in_dim3A_126, %add3A_116, %broadcast_in_dim3A_127 : vector<256x768xi1>, vector<256x768xf32>
      %add3A_129 = arith.addf %get3A_124, %select_n3A_128 : vector<256x768xf32>
      %swap3A = arith.index_cast %mul3A_102 : i32 to index
      %swap3A_130 = arith.constant 0 : index
      %swap3A_131 = vector.load %arg9[%swap3A, %swap3A_130] : memref<2048x768xf32, #tpu.memory_space<vmem>>, vector<256x768xf32>
      tpu.vector_store %arg9[%swap3A, %swap3A_130], %add3A_129 {strides = array<i32>} : memref<2048x768xf32, #tpu.memory_space<vmem>>, vector<256x768xf32>,
    } else {
    }
    %add3A_89 = arith.constant 2 : i32
    %add3A_90 = arith.addi %select_n3A, %add3A_89 : i32
    %while3A = arith.constant 0 : i32
    %while3A_91 = arith.subi %select_n3A_79, %add3A_90 : i32
    %while3A_92 = arith.addi %add3A_90, %while3A_91 : i32
    %while3A_93 = arith.constant 1 : i32
    %while3A_94 = arith.divsi %while3A_91, %while3A_93 : i32
    %while3A_95 = arith.muli %while3A_94, %while3A_93 : i32
    %while3A_96 = arith.addi %add3A_90, %while3A_95 : i32
    %while3A_97 = arith.constant 1 : i32
    scf.for %while3A_99 = %add3A_90 to %while3A_96 step %while3A_97  : i32 {
      %mul3A_100 = arith.constant 256 : i32
      %mul3A_101 = arith.muli %while3A_99, %mul3A_100 : i32
      %get3A_102 = arith.index_cast %mul3A_101 : i32 to index
      %get3A_103 = arith.constant 0 : index
      %get3A_104 = vector.load %arg4[%get3A_102, %get3A_103] : memref<2048x768xf32, #tpu.memory_space<vmem>>, vector<256x768xf32>
      %convert_element_type3A_105 = arith.truncf %get3A_104 : vector<256x768xf32> to vector<256x768xbf16>
      %dot_general3A = arith.constant dense<0.000000e+00> : vector<256x1536xf32>
      %dot_general3A_106 = tpu.matmul %convert_element_type3A_105, %convert_element_type3A_14, %dot_general3A {dimension_numbers = #tpu.dot_dimension_numbers<[1], [1], [0], [0], [0, 0, 1, 0], [], []>, transpose_lhs_hint = false} : vector<256x768xbf16>, vector<1536x768xbf16>, vector<256x1536xf32> -> vector<256x1536xf32>
      %add3A_107 = vector.broadcast %get3A_25 : vector<1x1536xf32> to vector<256x1536xf32>
      %add3A_108 = arith.addf %dot_general3A_106, %add3A_107 : vector<256x1536xf32>
      %max3A = arith.constant 0.000000e+00 : f32
      %max3A_109 = vector.broadcast %max3A : f32 to vector<256x1536xf32>
      %max3A_110 = arith.maximumf %add3A_108, %max3A_109 : vector<256x1536xf32>
      %convert_element_type3A_111 = arith.truncf %max3A_110 : vector<256x1536xf32> to vector<256x1536xbf16>
      %dot_general3A_112 = arith.constant dense<0.000000e+00> : vector<256x768xf32>
      %dot_general3A_113 = tpu.matmul %convert_element_type3A_111, %convert_element_type3A_20, %dot_general3A_112 {dimension_numbers = #tpu.dot_dimension_numbers<[1], [1], [0], [0], [0, 0, 1, 0], [], []>, transpose_lhs_hint = false} : vector<256x1536xbf16>, vector<768x1536xbf16>, vector<256x768xf32> -> vector<256x768xf32>
      %add3A_114 = vector.broadcast %mul3A_35 : vector<1x768xf32> to vector<256x768xf32>
      %add3A_115 = arith.addf %dot_general3A_113, %add3A_114 : vector<256x768xf32>
      %iota3A = tpu.iota {dimensions = array<i32: 0>} : vector<256x1xi32>
      %add3A_116 = vector.broadcast %mul3A_101 : i32 to vector<256x1xi32>
      %add3A_117 = arith.addi %add3A_116, %iota3A : vector<256x1xi32>
      %ge3A = vector.broadcast %get3A_5 : i32 to vector<256x1xi32>
      %ge3A_118 = arith.cmpi sge, %add3A_117, %ge3A : vector<256x1xi32>
      %lt3A = vector.broadcast %get3A_8 : i32 to vector<256x1xi32>
      %lt3A_119 = arith.cmpi slt, %add3A_117, %lt3A : vector<256x1xi32>
      %and3A_120 = arith.andi %ge3A_118, %lt3A_119 : vector<256x1xi1>
      %get3A_121 = arith.index_cast %mul3A_101 : i32 to index
      %get3A_122 = arith.constant 0 : index
      %get3A_123 = vector.load %arg9[%get3A_121, %get3A_122] : memref<2048x768xf32, #tpu.memory_space<vmem>>, vector<256x768xf32>
      %jit3A_124 = arith.constant 0.000000e+00 : f32
      %broadcast_in_dim3A = vector.shape_cast %and3A_120 : vector<256x1xi1> to vector<256x1xi1>
      %broadcast_in_dim3A_125 = vector.broadcast %broadcast_in_dim3A : vector<256x1xi1> to vector<256x768xi1>
      %broadcast_in_dim3A_126 = vector.broadcast %jit3A_124 : f32 to vector<256x768xf32>
      %select_n3A_127 = arith.select %broadcast_in_dim3A_125, %add3A_115, %broadcast_in_dim3A_126 : vector<256x768xi1>, vector<256x768xf32>
      %add3A_128 = arith.addf %get3A_123, %select_n3A_127 : vector<256x768xf32>
      %swap3A = arith.index_cast %mul3A_101 : i32 to index
      %swap3A_129 = arith.constant 0 : index
      %swap3A_130 = vector.load %arg9[%swap3A, %swap3A_129] : memref<2048x768xf32, #tpu.memory_space<vmem>>, vector<256x768xf32>
      tpu.vector_store %arg9[%swap3A, %swap3A_129], %add3A_128 {strides = array<i32>} : memref<2048x768xf32, #tpu.memory_space<vmem>>, vector<256x768xf32>,
    }
    %while3A_98 = arith.constant 1 : i32
    scf.for %while3A_99 = %while3A_96 to %while3A_92 step %while3A_98  : i32 {
      %mul3A_100 = arith.constant 256 : i32
      %mul3A_101 = arith.muli %while3A_99, %mul3A_100 : i32
      %get3A_102 = arith.index_cast %mul3A_101 : i32 to index
      %get3A_103 = arith.constant 0 : index
      %get3A_104 = vector.load %arg4[%get3A_102, %get3A_103] : memref<2048x768xf32, #tpu.memory_space<vmem>>, vector<256x768xf32>
      %convert_element_type3A_105 = arith.truncf %get3A_104 : vector<256x768xf32> to vector<256x768xbf16>
      %dot_general3A = arith.constant dense<0.000000e+00> : vector<256x1536xf32>
      %dot_general3A_106 = tpu.matmul %convert_element_type3A_105, %convert_element_type3A_14, %dot_general3A {dimension_numbers = #tpu.dot_dimension_numbers<[1], [1], [0], [0], [0, 0, 1, 0], [], []>, transpose_lhs_hint = false} : vector<256x768xbf16>, vector<1536x768xbf16>, vector<256x1536xf32> -> vector<256x1536xf32>
      %add3A_107 = vector.broadcast %get3A_25 : vector<1x1536xf32> to vector<256x1536xf32>
      %add3A_108 = arith.addf %dot_general3A_106, %add3A_107 : vector<256x1536xf32>
      %max3A = arith.constant 0.000000e+00 : f32
      %max3A_109 = vector.broadcast %max3A : f32 to vector<256x1536xf32>
      %max3A_110 = arith.maximumf %add3A_108, %max3A_109 : vector<256x1536xf32>
      %convert_element_type3A_111 = arith.truncf %max3A_110 : vector<256x1536xf32> to vector<256x1536xbf16>
      %dot_general3A_112 = arith.constant dense<0.000000e+00> : vector<256x768xf32>
      %dot_general3A_113 = tpu.matmul %convert_element_type3A_111, %convert_element_type3A_20, %dot_general3A_112 {dimension_numbers = #tpu.dot_dimension_numbers<[1], [1], [0], [0], [0, 0, 1, 0], [], []>, transpose_lhs_hint = false} : vector<256x1536xbf16>, vector<768x1536xbf16>, vector<256x768xf32> -> vector<256x768xf32>
      %add3A_114 = vector.broadcast %mul3A_35 : vector<1x768xf32> to vector<256x768xf32>
      %add3A_115 = arith.addf %dot_general3A_113, %add3A_114 : vector<256x768xf32>
      %iota3A = tpu.iota {dimensions = array<i32: 0>} : vector<256x1xi32>
      %add3A_116 = vector.broadcast %mul3A_101 : i32 to vector<256x1xi32>
      %add3A_117 = arith.addi %add3A_116, %iota3A : vector<256x1xi32>
      %ge3A = vector.broadcast %get3A_5 : i32 to vector<256x1xi32>
      %ge3A_118 = arith.cmpi sge, %add3A_117, %ge3A : vector<256x1xi32>
      %lt3A = vector.broadcast %get3A_8 : i32 to vector<256x1xi32>
      %lt3A_119 = arith.cmpi slt, %add3A_117, %lt3A : vector<256x1xi32>
      %and3A_120 = arith.andi %ge3A_118, %lt3A_119 : vector<256x1xi1>
      %get3A_121 = arith.index_cast %mul3A_101 : i32 to index
      %get3A_122 = arith.constant 0 : index
      %get3A_123 = vector.load %arg9[%get3A_121, %get3A_122] : memref<2048x768xf32, #tpu.memory_space<vmem>>, vector<256x768xf32>
      %jit3A_124 = arith.constant 0.000000e+00 : f32
      %broadcast_in_dim3A = vector.shape_cast %and3A_120 : vector<256x1xi1> to vector<256x1xi1>
      %broadcast_in_dim3A_125 = vector.broadcast %broadcast_in_dim3A : vector<256x1xi1> to vector<256x768xi1>
      %broadcast_in_dim3A_126 = vector.broadcast %jit3A_124 : f32 to vector<256x768xf32>
      %select_n3A_127 = arith.select %broadcast_in_dim3A_125, %add3A_115, %broadcast_in_dim3A_126 : vector<256x768xi1>, vector<256x768xf32>
      %add3A_128 = arith.addf %get3A_123, %select_n3A_127 : vector<256x768xf32>
      %swap3A = arith.index_cast %mul3A_101 : i32 to index
      %swap3A_129 = arith.constant 0 : index
      %swap3A_130 = vector.load %arg9[%swap3A, %swap3A_129] : memref<2048x768xf32, #tpu.memory_space<vmem>>, vector<256x768xf32>
      tpu.vector_store %arg9[%swap3A, %swap3A_129], %add3A_128 {strides = array<i32>} : memref<2048x768xf32, #tpu.memory_space<vmem>>, vector<256x768xf32>,
    }
    return
  }
  func.func @transform_0(%arg0: i32, %arg1: i32) -> (i32, i32) {
    %c0_i32 = arith.constant 0 : i32
    %c0_i32_0 = arith.constant 0 : i32
    %c0_i32_1 = arith.constant 0 : i32
    return %c0_i32, %c0_i32_0 : i32, i32
  }
  func.func @transform_1(%arg0: i32, %arg1: i32) -> (i32, i32) {
    %c0_i32 = arith.constant 0 : i32
    %c0_i32_0 = arith.constant 0 : i32
    %c0_i32_1 = arith.constant 0 : i32
    return %c0_i32, %c0_i32_0 : i32, i32
  }
  func.func @transform_2(%arg0: i32, %arg1: i32) -> (i32, i32) {
    %c0_i32 = arith.constant 0 : i32
    %c0_i32_0 = arith.constant 0 : i32
    %c0_i32_1 = arith.constant 0 : i32
    return %c0_i32, %c0_i32_0 : i32, i32
  }
  func.func @transform_3(%arg0: i32, %arg1: i32) -> (i32, i32, i32) {
    %c0_i32 = arith.constant 0 : i32
    %c0_i32_0 = arith.constant 0 : i32
    return %arg0, %arg1, %c0_i32 : i32, i32, i32
  }
  func.func @transform_4(%arg0: i32, %arg1: i32) -> (i32, i32, i32) {
    %c0_i32 = arith.constant 0 : i32
    %c0_i32_0 = arith.constant 0 : i32
    return %arg0, %c0_i32, %arg1 : i32, i32, i32
  }
  func.func @transform_5(%arg0: i32, %arg1: i32) -> (i32, i32, i32) {
    %c0_i32 = arith.constant 0 : i32
    %c0_i32_0 = arith.constant 0 : i32
    return %arg0, %c0_i32, %arg1 : i32, i32, i32
  }
  func.func @transform_6(%arg0: i32, %arg1: i32) -> (i32, i32, i32) {
    %c0_i32 = arith.constant 0 : i32
    %c0_i32_0 = arith.constant 0 : i32
    %c0_i32_1 = arith.constant 0 : i32
    return %arg0, %c0_i32, %c0_i32_0 : i32, i32, i32
  }
  func.func @transform_7(%arg0: i32, %arg1: i32) -> (i32, i32) {
    %c0_i32 = arith.constant 0 : i32
    %c0_i32_0 = arith.constant 0 : i32
    %c0_i32_1 = arith.constant 0 : i32
    return %c0_i32, %c0_i32_0 : i32, i32
  }
}

</mosaic_0001>

<sc_bundles>
// kernel: kernel.6.cloned.1.call-start
scs
__scs_entry_jumppad:
0x0: {  	(pc) =	sbr.rel $0x88, $3  }
0x1: {  	(tag) =	ssettag $0x0;
	lr =	simm.s32 $0x1  }
0x2: {  	[smem:$0x3F9B] =	sst lr;
	_ =	strace $0xD0000000  }
0x3: {  	_ = 	snop  }
0x4: {  	_ = 	snop  }
0x5: {  	_ = 	snop  }
0x6: {  	_ = 	snop  }
0x7: {  	_ = 	snop  }
__scs_overlays_trampoline_lowered:
0x8: {  	[smem:$0x3FAA] =	sst s0  }
0x9: {  	[smem:$0x3FAB] =	sst s1  }
0xa: {  	[smem:$0x3FAC] =	sst s2  }
0xb: {  	[smem:$0x3FAD] =	sst s3  }
0xc: {  	[smem:$0x3FAE] =	sst s4  }
0xd: {  	[smem:$0x3FAF] =	sst s5  }
0xe: {  	[smem:$0x3FB0] =	sst s6  }
0xf: {  	[smem:$0x3FB1] =	sst s7  }
0x10: {  	[smem:$0x3FB2] =	sst s8  }
0x11: {  	[smem:$0x3FB3] =	sst s9;
	s0 =	simm.s32 @!p0 $0x0  }
0x12: {  	s1 =	sld [smem:$0x3F99];
	s0 =	simm.s32 @p0 $0x1  }
0x13: {  	[smem:$0x3FB4] =	sst s0;
	s0 =	simm.s32 @!p1 $0x0  }
0x14: {  	s2 =	sld [smem:$0x3F98];
	s0 =	simm.s32 @p1 $0x1  }
0x15: {  	[smem:$0x3FB5] =	sst s0;
	s0 =	simm.s32 @!p2 $0x0  }
0x16: {  	s3 =	sld [smem:$0x3FDB];
	s0 =	simm.s32 @p2 $0x1  }
0x17: {  	s4 =	simm.s32 $0x1BF5;
	[smem:$0x3FB7] =	sst s0  }
0x18: {  	s0 =	sld [smem:$0x3F9A];
	_ =	swait.ge [sflag:s4], $0x0  }
0x19: {  	s7 =	sld [smem:$0x3F9B]  }
0x1a: {  	s8 =	sadd.s32 $0xFFFFE003, lr  }
0x1b: {  	s9 =	sadd.s32 $0xFFFFFEF7, lr;
	s5 =	simm.s32 $0xFFFFFFFF;
	p2 =	slt.u32 s8, $0xFFFFF086  }
0x1c: {  	p1 =	slt.u32 s9, $0xF7A;
	s5 =	simm.s32 @!p2 $0x0  }
0x1d: {  	s5 =	simm.s32 @p1 $0x1;
	p0 =	seq.s32 s7, s2  }
0x1e: {  	s7 =	smul.u32 @!p0 $0xF7A, s2;
	p2 =	seq.s32 @!p0 s5, $0x0  }
0x1f: {  	s9 =	smul.u32 $0xF7A, s1;
	s8 =	simm.s32 @!p0 $0x1BF5;
	p2 =	por !p2, p0  }
0x20: {  	[sflag:s8] =	ssyncset.s32 @!p0 $0xFFFFF086;
	s6 =	sadd.s32 @!p0 s3, s7;
	s7 =	simm.s32 @!p0 $0x108  }
0x21: {  	s3 =	sadd.s32 s3, s9;
	s6 =	sadd.s32 @!p0 $0x88, s6;
	s7 =	simm.s32 @p2 $0x1082  }
0x22: {  	[simem:s7], [sflag:s8] =	dma.local @!p0 [hbm:s6], $0xF7A  }
0x23: {  	s9 =	sor.u32 $0xD0000000, s2;
	s6 =	simm.s32 $0x108;
	_ =	swait.ge @!p0 [sflag:s8], $0x0  }
0x24: {  	s3 =	sadd.s32 $0x88, s3;
	s6 =	simm.s32 @!p1 $0x1082;
	[sflag:s4] =	ssyncset.s32 $0xFFFFF086  }
0x25: {  	[simem:s6], [sflag:s4] =	dma.local [hbm:s3], $0xF7A  }
0x26: {  	[smem:$0x3F9B] =	sst s1;
	(tag) =	ssettag s2;
	_ =	strace s9  }
0x27: {  	s1 =	sld [smem:$0x3FAB]  }
0x28: {  	s2 =	sld [smem:$0x3FAC]  }
0x29: {  	s4 =	sld [smem:$0x3FAE]  }
0x2a: {  	p0 =	seq.s32 s5, $0x0;
	s5 =	sld [smem:$0x3FAF]  }
0x2b: {  	s6 =	sld [smem:$0x3FB0]  }
0x2c: {  	s7 =	sld [smem:$0x3FB1]  }
0x2d: {  	s3 =	simm.s32 $0x108;
	s8 =	sld [smem:$0x3FB2]  }
0x2e: {  	s3 =	simm.s32 @!p0 $0x1082;
	s9 =	sld [smem:$0x3FB3]  }
0x2f: {  	lr =	sadd.s32 s0, s3;
	s0 =	sld [smem:$0x3FAA]  }
0x30: {  	s3 =	sld [smem:$0x3FAD]  }
0x31: {  	[smem:$0x3FB6] =	sst s10  }
0x32: {  	s10 =	sld [smem:$0x3FB4];
	_ =	sdelay $0x3  }
0x33: {  	p0 =	seq.s32 s10, $0x1;
	s10 =	sld [smem:$0x3FB6];
	_ =	sdelay $0x3  }
0x34: {  	[smem:$0x3FB6] =	sst s10  }
0x35: {  	s10 =	sld [smem:$0x3FB5];
	_ =	sdelay $0x3  }
0x36: {  	p1 =	seq.s32 s10, $0x1;
	s10 =	sld [smem:$0x3FB6];
	_ =	sdelay $0x3  }
0x37: {  	[smem:$0x3FB6] =	sst s10  }
0x38: {  	s10 =	sld [smem:$0x3FB7]  }
0x39: {  	_ = 	snop;
	(pc) =	sbr.ind lr, $3  }
0x3a: {  	_ = 	snop  }
0x3b: {  	_ = 	snop  }
0x3c: {  	p2 =	seq.s32 s10, $0x1;
	s10 =	sld [smem:$0x3FB6]  }
0x3d: {  	_ =	shalt  }
0x3e: {  	_ =	shalt  }
0x3f: {  	_ =	shalt  }
0x40: {  	_ =	shalt  }
0x41: {  	_ =	shalt  }
0x42: {  	_ =	shalt  }
0x43: {  	_ =	shalt  }
0x44: {  	_ =	shalt  }
0x45: {  	_ =	shalt  }
0x46: {  	_ =	shalt  }
0x47: {  	_ =	shalt  }
0x48: {  	_ =	shalt  }
0x49: {  	_ =	shalt  }
0x4a: {  	_ =	shalt  }
0x4b: {  	_ =	shalt  }
0x4c: {  	_ =	shalt  }
0x4d: {  	_ =	shalt  }
0x4e: {  	_ =	shalt  }
0x4f: {  	_ =	shalt  }
0x50: {  	_ =	shalt  }
0x51: {  	_ =	shalt  }
0x52: {  	_ =	shalt  }
0x53: {  	_ =	shalt  }
0x54: {  	_ =	shalt  }
0x55: {  	_ =	shalt  }
0x56: {  	_ =	shalt  }
0x57: {  	_ =	shalt  }
0x58: {  	_ =	shalt  }
0x59: {  	_ =	shalt  }
0x5a: {  	_ =	shalt  }
0x5b: {  	_ =	shalt  }
0x5c: {  	_ =	shalt  }
0x5d: {  	_ =	shalt  }
0x5e: {  	_ =	shalt  }
0x5f: {  	_ =	shalt  }
0x60: {  	_ =	shalt  }
0x61: {  	_ =	shalt  }
0x62: {  	_ =	shalt  }
0x63: {  	_ =	shalt  }
0x64: {  	_ =	shalt  }
0x65: {  	_ =	shalt  }
0x66: {  	_ =	shalt  }
0x67: {  	_ =	shalt  }
0x68: {  	_ =	shalt  }
0x69: {  	_ =	shalt  }
0x6a: {  	_ =	shalt  }
0x6b: {  	_ =	shalt  }
0x6c: {  	_ =	shalt  }
0x6d: {  	_ =	shalt  }
0x6e: {  	_ =	shalt  }
0x6f: {  	_ =	shalt  }
0x70: {  	_ =	shalt  }
0x71: {  	_ =	shalt  }
0x72: {  	_ =	shalt  }
0x73: {  	_ =	shalt  }
0x74: {  	_ =	shalt  }
0x75: {  	_ =	shalt  }
0x76: {  	_ =	shalt  }
0x77: {  	_ =	shalt  }
0x78: {  	_ =	shalt  }
0x79: {  	_ =	shalt  }
0x7a: {  	_ =	shalt  }
0x7b: {  	_ =	shalt  }
0x7c: {  	_ =	shalt  }
0x7d: {  	_ =	shalt  }
0x7e: {  	_ =	shalt  }
0x7f: {  	_ =	shalt  }
0x80: {  	_ =	shalt  }
0x81: {  	_ =	shalt  }
0x82: {  	_ =	shalt  }
0x83: {  	_ =	shalt  }
0x84: {  	_ =	shalt  }
0x85: {  	_ =	shalt  }
0x86: {  	_ =	shalt  }
0x87: {  	_ =	shalt  }
.Lfunc_end0:
.L_simem_size_0:
called_computation_lowered:
.L_overlay_start_0:
0x88: {  	s2 =	sld [smem:$0x3FD9]  }
0x89: {  	s3 =	sld [smem:$0x3FFE];
	_ =	sdelay $0x1  }
0x8a: {  	s1 =	srdreg.scid  }
0x8b: {  	s0 =	sand.u32 $0x1, s1  }
0x8c: {  	s15 =	sshll.u32 s0, $0xA;
	s2 =	sadd.s32 s3, s2  }
0x8d: {  	s2 =	sadd.s32 s2, s15  }
0x8e: {  	[smem:$0x3FC2] =	sst s2  }
0x8f: {  	_ = 	snop  }
0x90: {  	s2 =	sld [smem:$0x3FD0];
	_ =	sdelay $0x2  }
0x91: {  	s4 =	simm.s32 $0xA;
	s5 =	simm.s32 $0x10;
	s16 =	sld [smem:$0x3FC9]  }
0x92: {  	[smem:s5], [sflag:s4] =	dma.local [hbm:s2], $0x1  }
0x93: {  	_ =	swait.eq [sflag:s4], $0x1  }
0x94: {  	[sflag:s4] =	ssyncset.done $0x0  }
0x95: {  	s17 =	sld [smem:$0x10];
	[sflag:s4] =	ssyncadd.s32 $0xFFFFFFFF  }
0x96: {  	s18 =	sld [smem:$0x11];
	(tm) =	ssettm $0x1  }
0x97: {  	s19 =	sld [smem:$0x3FFB];
	_ =	sdelay $0x3  }
0x98: {  	_ =	strace s19  }
0x99: {  	s5 =	sld [smem:$0x3FFC];
	_ =	sdelay $0x3  }
0x9a: {  	_ =	strace s5  }
0x9b: {  	s5 =	sld [smem:$0x3FFD];
	_ =	sdelay $0x3  }
0x9c: {  	_ =	strace s5  }
0x9d: {  	_ =	strace $0x8FFFFFFF  }
0x9e: {  	s20 =	sld [smem:$0x3FDB];
	_ =	sdelay $0x1  }
0x9f: {  	s6 =	simm.s32 $_scs_section_size  }
0xa0: {  	s7 =	simm.s32 $_size__tile_overlayer_lowered;
	s8 =	simm.s32 $_tile_overlayer_lowered  }
0xa1: {  	s23 =	simm.s32 $0x1BFF;
	s22 =	sshll.u32 s8, $0x1;
	s5 =	sadd.s32 s6, s20  }
0xa2: {  	s9 =	simm.s32 $0x0;
	s21 =	sshll.u32 s7, $0x1;
	s7 =	sadd.s32 s22, s5  }
0xa3: {  	[timem:s9], [sflag:s23] =	dma.local [hbm:s7], s21  }
0xa4: {  	_ =	swait.ge [sflag:s23], s21  }
0xa5: {  	s6 =	ssub.s32 $0x0, s21;
	[sflag:s23] =	ssyncset.done $0x0  }
0xa6: {  	[sflag:s23] =	ssyncadd.s32 s6;
	_ =	sdelay $0x1  }
0xa7: {  	s24 =	simm.s32 $0x1B8B  }
0xa8: {  	_ =	swait.ge [sflag:s24], $0x1  }
0xa9: {  	[sflag:s24] =	ssyncset.done $0x0  }
0xaa: {  	s25 =	simm.s32 $0x1B8E;
	[sflag:s24] =	ssyncadd.s32 $0xFFFFFFFF  }
0xab: {  	s26 =	simm.s32 $execute0_lowered;
	[smem:$0x3FD2] =	sst s25  }
0xac: {  	s6 =	sshll.u32 s26, $0x1;
	_ =	strace $0x80000046;
	[dreg:$0x1] =	wrdreg $0xFFFFFFFF  }
0xad: {  	s28 =	simm.s32 $_size_execute0_lowered;
	s5 =	sadd.s32 s5, s6;
	[dreg:$0x0] =	wrdreg $0x0  }
0xae: {  	s6 =	sshll.u32 s28, $0x1;
	[dreg:$0x2] =	wrdreg s5  }
0xaf: {  	[dreg:$0x3] =	wrdreg s6  }
0xb0: {  	[dreg:$0x4] =	wrdreg $0xC0  }
0xb1: {  	_ =	task [dreg:s9], $0x5FFFF  }
0xb2: {  	[dreg:$0x1] =	wrdreg $0xFFFFFFFF  }
0xb3: {  	[dreg:$0x0] =	wrdreg $0x60  }
0xb4: {  	[dreg:$0x2] =	wrdreg s16  }
0xb5: {  	[dreg:$0x3] =	wrdreg s18  }
0xb6: {  	[dreg:$0x4] =	wrdreg s17  }
0xb7: {  	[dreg:$0x5] =	wrdreg $0x9  }
0xb8: {  	_ =	task.clear_ibuf [dreg:s9], $0x6FFFF;
	_ =	strace $0x90000046  }
0xb9: {  	s29 =	simm.s32 $0x9;
	_ =	strace $0x80000048  }
0xba: {  	_ =	swait.ge [sflag:s29], $0x1  }
0xbb: {  	[sflag:s29] =	ssyncadd.s32 $0xFFFFFFFF  }
0xbc: {  	_ =	strace $0x90000048  }
0xbd: {  	_ =	sfence  }
0xbe: {  	s30 =	sld [smem:$0x0];
	_ =	sdelay $0x2  }
0xbf: {  	s31 =	sshll.u32 s1, $0xD;
	s1 =	sshrl.u32 s1, $0x2  }
0xc0: {  	s3 =	sand.u32 $0x4000, s31;
	s1 =	sadd.s32 s1, s30  }
0xc1: {  	s0 =	sor.u32 s3, s0;
	s1 =	sshll.u32 s1, $0x11  }
0xc2: {  	s0 =	sor.u32 s1, s0  }
0xc3: {  	s0 =	sadd.s32 $0x8F2B, s0  }
0xc4: {  	[sflag:s0] =	ssyncadd.remote.s32 $0x1  }
0xc5: {  	_ =	sfence.sel $0xFFFF  }
0xc6: {  	[dreg:$0x0] =	wrdreg $0xFFFFFFFF;
	(pc) =	sbr.abs _section_cstart, $3  }
0xc7: {  	[dreg:$0x1] =	wrdreg $0xFFFFFFFF  }
0xc8: {  	_ =	task.clear_ibuf [dreg:s9], $0x2FFFF;
	_ =	strace $0x9FFFFFFF  }
0xc9: {  	(tm) =	ssettm $0x7FFFFFFF  }
tec
execute0_lowered:
.L_overlay_start_1:
0x0: {  	(tag) =	ssettag $0x1  }
0x1: {  	s2 =	rddreg [dreg:$0x0]  }
0x2: {  	s0 =	rddreg [dreg:$0x1];
	s3 =	srdreg.scid  }
0x3: {  	s5 =	rddreg [dreg:$0x2];
	s1 =	stileid.u32  }
0x4: {  	s26 =	simm.s32 $0x880;
	s9 =	simm.s32 $0x1080;
	s10 =	simm.s32 $0x1880  }
0x5: {  	s11 =	simm.s32 $0x2080;
	s12 =	simm.s32 $0x2880;
	s13 =	simm.s32 $0x3080  }
0x6: {  	s14 =	simm.s32 $0x3880;
	s15 =	simm.s32 $0x4080;
	s16 =	simm.s32 $0x4880  }
0x7: {  	s17 =	simm.s32 $0x5080;
	s18 =	simm.s32 $0x5880;
	s19 =	simm.s32 $0x6080  }
0x8: {  	s20 =	simm.s32 $0x6880;
	s21 =	simm.s32 $0x7080;
	s22 =	simm.s32 $0x7880  }
0x9: {  	s23 =	simm.s32 $0x8080;
	s28 =	simm.s32 $0xA080;
	s29 =	simm.s32 $0xA880  }
0xa: {  	s30 =	simm.s32 $0xB080;
	s31 =	simm.s32 $0xB880;
	s4 =	sand.u32 $0x1, s3  }
0xb: {  	s6 =	sshll.u32 s1, $0x4;
	s3 =	simm.s32 $0x0;
	s7 =	sshll.u32 s4, $0x3  }
0xc: {  	s4 =	ssub.s32 $0x2, s4;
	[smem:$0x7FF] =	sst s3;
	s6 =	sor.u32 s7, s6  }
0xd: {  	s24 =	sshrl.u32 s4, $0x1;
	_ =	strace $0x80000047;
	[dreg:$0x6] =	wrdreg s26  }
0xe: {  	s26 =	simm.s32 $0x9880;
	s8 =	smul.u32 $0x300, s6;
	s7 =	ssub.s32 s4, s24  }
0xf: {  	s0 =	sadd.s32 s0, s6;
	s4 =	sadd.s32 $0x100, s2;
	s24 =	simm.s32 $0x8880  }
0x10: {  	v2 =	vlaneseq.u32;
	[dreg:$0x4] =	wrdreg s0;
	s6 =	smax.u32 s7, $0x1;
	s7 =	simm.s32 $0x2  }
0x11: {  	vm0 =	vmmov $0xffff;
	v1 =	vshrl.u32 v2, $0x3;
	s0 =	simm.s32 $0x1;
	s25 =	sadd.s32 s5, s8;
	s5 =	sadd.s32 $0x200, s2  }
0x12: {  	v0 =	vand.u32 $0x7, v2;
	v2 =	vor.u32 $0x8, v2;
	v1 =	vmul.u32 $0x8, v1;
	s8 =	simm.s32 $0x80;
	[dreg:$0x5] =	wrdreg s25;
	s25 =	simm.s32 $0x9080  }
.LBB2_1:
0x13: {  	s1 =	rddreg [dreg:$0x4]  }
0x14: {  	[tilespmem:s3], [sflag:$0x2] =	stream.linear.gather [hbm4b:s1+s3], $0x40, $0x38;
	[tilespmem:$0xC080] =	vst v63  }
0x15: {  	_ =	swait.ge [sflag:s7], $0x40  }
0x16: {  	[sflag:s7] =	ssyncset.done $0x0  }
0x17: {  	[sflag:s7] =	ssyncadd.s32 $0xFFFFFFC0  }
0x18: {  	v3 =	vld [tilespmem:$0x0];
	_ =	sdelay $0x4  }
0x19: {  	v4 =	vshrl.u32 v3, $0x3  }
0x1a: {  	v4 =	vmul.u32 $0x30, v4  }
0x1b: {  	v3 =	vand.u32 $0x7, v3  }
0x1c: {  	v3 =	vor.u32 v3, v4  }
0x1d: {  	v4 =	vperm.xlane v3, v0;
	_ =	sdelay $0x1  }
0x1e: {  	v4 =	vadd.s32 v1, v4;
	_ =	sdelay $0x3  }
0x1f: {  	v3 =	vperm.xlane v3, v2  }
0x20: {  	[tilespmem:s8], [sflag:$0x1] =	stream.indirect_vreg.gather [hbm4b:s2+s3], $0x80, v4, vm0, $0xb8;
	[tilespmem:$0xC080] =	vst v63  }
0x21: {  	s1 =	rddreg [dreg:$0x6];
	v3 =	vadd.s32 v1, v3  }
0x22: {  	[tilespmem:s1], [sflag:$0x1] =	stream.indirect_vreg.gather [hbm4b:s4+s3], $0x80, v4, vm0, $0xb8;
	[tilespmem:$0xC080] =	vst v63  }
0x23: {  	_ = 	snop  }
0x24: {  	[tilespmem:s9], [sflag:$0x1] =	stream.indirect_vreg.gather [hbm4b:s5+s3], $0x80, v4, vm0, $0xb8;
	[tilespmem:$0xC080] =	vst v63  }
0x25: {  	_ = 	snop  }
0x26: {  	[tilespmem:s10], [sflag:$0x1] =	stream.indirect_vreg.gather [hbm4b:s2+s3], $0x80, v3, vm0, $0xb8;
	[tilespmem:$0xC080] =	vst v63  }
0x27: {  	_ = 	snop  }
0x28: {  	[tilespmem:s11], [sflag:$0x1] =	stream.indirect_vreg.gather [hbm4b:s4+s3], $0x80, v3, vm0, $0xb8;
	[tilespmem:$0xC080] =	vst v63  }
0x29: {  	_ = 	snop  }
0x2a: {  	[tilespmem:s12], [sflag:$0x1] =	stream.indirect_vreg.gather [hbm4b:s5+s3], $0x80, v3, vm0, $0xb8;
	[tilespmem:$0xC080] =	vst v63  }
0x2b: {  	v3 =	vld [tilespmem:$0x10];
	_ =	sdelay $0x4  }
0x2c: {  	v61 =	vshrl.u32 v3, $0x3  }
0x2d: {  	v4 =	vmul.u32 $0x30, v61  }
0x2e: {  	v3 =	vand.u32 $0x7, v3  }
0x2f: {  	v3 =	vor.u32 v3, v4  }
0x30: {  	v4 =	vperm.xlane v3, v0;
	_ =	sdelay $0x1  }
0x31: {  	v4 =	vadd.s32 v1, v4;
	_ =	sdelay $0x3  }
0x32: {  	v3 =	vperm.xlane v3, v2  }
0x33: {  	[tilespmem:s13], [sflag:$0x1] =	stream.indirect_vreg.gather [hbm4b:s2+s3], $0x80, v4, vm0, $0xb8;
	[tilespmem:$0xC080] =	vst v63  }
0x34: {  	v3 =	vadd.s32 v1, v3  }
0x35: {  	[tilespmem:s14], [sflag:$0x1] =	stream.indirect_vreg.gather [hbm4b:s4+s3], $0x80, v4, vm0, $0xb8;
	[tilespmem:$0xC080] =	vst v63  }
0x36: {  	_ = 	snop  }
0x37: {  	[tilespmem:s15], [sflag:$0x1] =	stream.indirect_vreg.gather [hbm4b:s5+s3], $0x80, v4, vm0, $0xb8;
	[tilespmem:$0xC080] =	vst v63  }
0x38: {  	_ = 	snop  }
0x39: {  	[tilespmem:s16], [sflag:$0x1] =	stream.indirect_vreg.gather [hbm4b:s2+s3], $0x80, v3, vm0, $0xb8;
	[tilespmem:$0xC080] =	vst v63  }
0x3a: {  	_ = 	snop  }
0x3b: {  	[tilespmem:s17], [sflag:$0x1] =	stream.indirect_vreg.gather [hbm4b:s4+s3], $0x80, v3, vm0, $0xb8;
	[tilespmem:$0xC080] =	vst v63  }
0x3c: {  	_ = 	snop  }
0x3d: {  	[tilespmem:s18], [sflag:$0x1] =	stream.indirect_vreg.gather [hbm4b:s5+s3], $0x80, v3, vm0, $0xb8;
	[tilespmem:$0xC080] =	vst v63  }
0x3e: {  	v3 =	vld [tilespmem:$0x20];
	_ =	sdelay $0x4  }
0x3f: {  	v62 =	vshrl.u32 v3, $0x3  }
0x40: {  	v4 =	vmul.u32 $0x30, v62  }
0x41: {  	v3 =	vand.u32 $0x7, v3  }
0x42: {  	v3 =	vor.u32 v3, v4  }
0x43: {  	v4 =	vperm.xlane v3, v0;
	_ =	sdelay $0x1  }
0x44: {  	v4 =	vadd.s32 v1, v4;
	_ =	sdelay $0x3  }
0x45: {  	v3 =	vperm.xlane v3, v2  }
0x46: {  	[tilespmem:s19], [sflag:$0x1] =	stream.indirect_vreg.gather [hbm4b:s2+s3], $0x80, v4, vm0, $0xb8;
	[tilespmem:$0xC080] =	vst v63  }
0x47: {  	v3 =	vadd.s32 v1, v3  }
0x48: {  	[tilespmem:s20], [sflag:$0x1] =	stream.indirect_vreg.gather [hbm4b:s4+s3], $0x80, v4, vm0, $0xb8;
	[tilespmem:$0xC080] =	vst v63  }
0x49: {  	_ = 	snop  }
0x4a: {  	[tilespmem:s21], [sflag:$0x1] =	stream.indirect_vreg.gather [hbm4b:s5+s3], $0x80, v4, vm0, $0xb8;
	[tilespmem:$0xC080] =	vst v63  }
0x4b: {  	_ = 	snop  }
0x4c: {  	[tilespmem:s22], [sflag:$0x1] =	stream.indirect_vreg.gather [hbm4b:s2+s3], $0x80, v3, vm0, $0xb8;
	[tilespmem:$0xC080] =	vst v63  }
0x4d: {  	_ = 	snop  }
0x4e: {  	[tilespmem:s23], [sflag:$0x1] =	stream.indirect_vreg.gather [hbm4b:s4+s3], $0x80, v3, vm0, $0xb8;
	[tilespmem:$0xC080] =	vst v63  }
0x4f: {  	_ = 	snop  }
0x50: {  	[tilespmem:s24], [sflag:$0x1] =	stream.indirect_vreg.gather [hbm4b:s5+s3], $0x80, v3, vm0, $0xb8;
	[tilespmem:$0xC080] =	vst v63  }
0x51: {  	v3 =	vld [tilespmem:$0x30];
	_ =	sdelay $0x4  }
0x52: {  	v63 =	vshrl.u32 v3, $0x3  }
0x53: {  	v4 =	vmul.u32 $0x30, v63  }
0x54: {  	v3 =	vand.u32 $0x7, v3  }
0x55: {  	v3 =	vor.u32 v3, v4  }
0x56: {  	v4 =	vperm.xlane v3, v0;
	_ =	sdelay $0x1  }
0x57: {  	v4 =	vadd.s32 v1, v4;
	_ =	sdelay $0x3  }
0x58: {  	v3 =	vperm.xlane v3, v2  }
0x59: {  	[tilespmem:s25], [sflag:$0x1] =	stream.indirect_vreg.gather [hbm4b:s2+s3], $0x80, v4, vm0, $0xb8;
	[tilespmem:$0xC080] =	vst v63  }
0x5a: {  	v3 =	vadd.s32 v1, v3  }
0x5b: {  	[tilespmem:s26], [sflag:$0x1] =	stream.indirect_vreg.gather [hbm4b:s4+s3], $0x80, v4, vm0, $0xb8;
	[tilespmem:$0xC080] =	vst v63  }
0x5c: {  	_ = 	snop  }
0x5d: {  	[tilespmem:s28], [sflag:$0x1] =	stream.indirect_vreg.gather [hbm4b:s5+s3], $0x80, v4, vm0, $0xb8;
	[tilespmem:$0xC080] =	vst v63  }
0x5e: {  	_ = 	snop  }
0x5f: {  	[tilespmem:s29], [sflag:$0x1] =	stream.indirect_vreg.gather [hbm4b:s2+s3], $0x80, v3, vm0, $0xb8;
	[tilespmem:$0xC080] =	vst v63  }
0x60: {  	_ = 	snop  }
0x61: {  	[tilespmem:s30], [sflag:$0x1] =	stream.indirect_vreg.gather [hbm4b:s4+s3], $0x80, v3, vm0, $0xb8;
	[tilespmem:$0xC080] =	vst v63  }
0x62: {  	_ = 	snop  }
0x63: {  	[tilespmem:s31], [sflag:$0x1] =	stream.indirect_vreg.gather [hbm4b:s5+s3], $0x80, v3, vm0, $0xb8;
	[tilespmem:$0xC080] =	vst v63  }
0x64: {  	_ =	swait.ge [sflag:s0], $0xC000  }
0x65: {  	p0 =	sne.s32 s6, $0x1;
	[sflag:s0] =	ssyncset.done $0x0  }
.Ltmp0:
0x66: {  	s1 =	rddreg [dreg:$0x5];
	[sflag:s0] =	ssyncadd.s32 $0xFFFF4000;
	(pc) =	sbr.rel @p0 .LBB2_1-.Ltmp0, $4  }
0x67: {  	[hbm4b:s1+s3] =	stream.linear.scatter [tilespmem:s8], [sflag:$0x2], $0xC000, $0x38;
	[tilespmem:$0xC080] =	vst v63  }
0x68: {  	_ =	swait.ge [sflag:s7], $0xC000  }
0x69: {  	[sflag:s7] =	ssyncset.done $0x0  }
0x6a: {  	s6 =	sadd.s32 $0xFFFFFFFF, s6;
	[sflag:s7] =	ssyncadd.s32 $0xFFFF4000  }
0x6b: {  	_ =	sfence.sel $0x180000  }
0x6c: {  	[bflag:$0x0] =	sbarrier.arrive $0xFFFF  }
0x6d: {  	_ =	strace $0x90000047  }
0x6e: {  	s0 =	stileid.u32;
	[bflag:$0x2] =	sbarrier.arrive $0xFFFF  }
0x6f: {  	p0 =	sne.s32 s0, $0x0;
	s0 =	rddreg [dreg:$0x3]  }
0x70: {  	s0 =	sadd.s32 @!p0 $0x100000, s0  }
0x71: {  	[sflag:s0] =	ssyncadd.tile.s32 @!p0 $0x1;
	_ =	shalt  }
.Lfunc_end2:
_tile_overlayer_lowered:
.L_overlay_start_2:
0x72: {  	(tag) =	ssettag $0x2  }
0x73: {  	s0 =	rddreg [dreg:$0x0];
	s2 =	stileid.u32  }
0x74: {  	s1 =	rddreg [dreg:$0x1];
	p0 =	sne.s32 s2, $0x0  }
0x75: {  	s3 =	rddreg [dreg:$0x2];
	[bflag:$0x3] =	sbarrier.arrive $0xFFFF;
	s2 =	simm.s32 @!p0 $0x1C02  }
0x76: {  	[timem:s3], [sflag:s2] =	dma.local @!p0 [hbm:s0], s1  }
0x77: {  	s0 =	simm.s32 @!p0 $0x2  }
0x78: {  	_ =	swait.ge @!p0 [sflag:s0], s1  }
0x79: {  	s1 =	ssub.s32 @!p0 $0x0, s1;
	[sflag:s0] =	ssyncset.done @!p0 $0x0  }
0x7a: {  	[sflag:s0] =	ssyncadd.s32 @!p0 s1  }
0x7b: {  	[bflag:$0x3] =	sbarrier.arrive $0xFFFF  }
0x7c: {  	_ =	shalt  }

// kernel: kernel.9.cloned.1.call-start
scs
__scs_entry_jumppad:
0x0: {  	(pc) =	sbr.rel $0x88, $3  }
0x1: {  	(tag) =	ssettag $0x0;
	lr =	simm.s32 $0x1  }
0x2: {  	[smem:$0x3F9B] =	sst lr;
	_ =	strace $0xD0000000  }
0x3: {  	_ = 	snop  }
0x4: {  	_ = 	snop  }
0x5: {  	_ = 	snop  }
0x6: {  	_ = 	snop  }
0x7: {  	_ = 	snop  }
__scs_overlays_trampoline_lowered:
0x8: {  	[smem:$0x3FAA] =	sst s0  }
0x9: {  	[smem:$0x3FAB] =	sst s1  }
0xa: {  	[smem:$0x3FAC] =	sst s2  }
0xb: {  	[smem:$0x3FAD] =	sst s3  }
0xc: {  	[smem:$0x3FAE] =	sst s4  }
0xd: {  	[smem:$0x3FAF] =	sst s5  }
0xe: {  	[smem:$0x3FB0] =	sst s6  }
0xf: {  	[smem:$0x3FB1] =	sst s7  }
0x10: {  	[smem:$0x3FB2] =	sst s8  }
0x11: {  	[smem:$0x3FB3] =	sst s9;
	s0 =	simm.s32 @!p0 $0x0  }
0x12: {  	s1 =	sld [smem:$0x3F99];
	s0 =	simm.s32 @p0 $0x1  }
0x13: {  	[smem:$0x3FB4] =	sst s0;
	s0 =	simm.s32 @!p1 $0x0  }
0x14: {  	s2 =	sld [smem:$0x3F98];
	s0 =	simm.s32 @p1 $0x1  }
0x15: {  	[smem:$0x3FB5] =	sst s0;
	s0 =	simm.s32 @!p2 $0x0  }
0x16: {  	s3 =	sld [smem:$0x3FDB];
	s0 =	simm.s32 @p2 $0x1  }
0x17: {  	s4 =	simm.s32 $0x1BF5;
	[smem:$0x3FB7] =	sst s0  }
0x18: {  	s0 =	sld [smem:$0x3F9A];
	_ =	swait.ge [sflag:s4], $0x0  }
0x19: {  	s7 =	sld [smem:$0x3F9B]  }
0x1a: {  	s8 =	sadd.s32 $0xFFFFE003, lr  }
0x1b: {  	s9 =	sadd.s32 $0xFFFFFEF7, lr;
	s5 =	simm.s32 $0xFFFFFFFF;
	p2 =	slt.u32 s8, $0xFFFFF086  }
0x1c: {  	p1 =	slt.u32 s9, $0xF7A;
	s5 =	simm.s32 @!p2 $0x0  }
0x1d: {  	s5 =	simm.s32 @p1 $0x1;
	p0 =	seq.s32 s7, s2  }
0x1e: {  	s7 =	smul.u32 @!p0 $0xF7A, s2;
	p2 =	seq.s32 @!p0 s5, $0x0  }
0x1f: {  	s9 =	smul.u32 $0xF7A, s1;
	s8 =	simm.s32 @!p0 $0x1BF5;
	p2 =	por !p2, p0  }
0x20: {  	[sflag:s8] =	ssyncset.s32 @!p0 $0xFFFFF086;
	s6 =	sadd.s32 @!p0 s3, s7;
	s7 =	simm.s32 @!p0 $0x108  }
0x21: {  	s3 =	sadd.s32 s3, s9;
	s6 =	sadd.s32 @!p0 $0x88, s6;
	s7 =	simm.s32 @p2 $0x1082  }
0x22: {  	[simem:s7], [sflag:s8] =	dma.local @!p0 [hbm:s6], $0xF7A  }
0x23: {  	s9 =	sor.u32 $0xD0000000, s2;
	s6 =	simm.s32 $0x108;
	_ =	swait.ge @!p0 [sflag:s8], $0x0  }
0x24: {  	s3 =	sadd.s32 $0x88, s3;
	s6 =	simm.s32 @!p1 $0x1082;
	[sflag:s4] =	ssyncset.s32 $0xFFFFF086  }
0x25: {  	[simem:s6], [sflag:s4] =	dma.local [hbm:s3], $0xF7A  }
0x26: {  	[smem:$0x3F9B] =	sst s1;
	(tag) =	ssettag s2;
	_ =	strace s9  }
0x27: {  	s1 =	sld [smem:$0x3FAB]  }
0x28: {  	s2 =	sld [smem:$0x3FAC]  }
0x29: {  	s4 =	sld [smem:$0x3FAE]  }
0x2a: {  	p0 =	seq.s32 s5, $0x0;
	s5 =	sld [smem:$0x3FAF]  }
0x2b: {  	s6 =	sld [smem:$0x3FB0]  }
0x2c: {  	s7 =	sld [smem:$0x3FB1]  }
0x2d: {  	s3 =	simm.s32 $0x108;
	s8 =	sld [smem:$0x3FB2]  }
0x2e: {  	s3 =	simm.s32 @!p0 $0x1082;
	s9 =	sld [smem:$0x3FB3]  }
0x2f: {  	lr =	sadd.s32 s0, s3;
	s0 =	sld [smem:$0x3FAA]  }
0x30: {  	s3 =	sld [smem:$0x3FAD]  }
0x31: {  	[smem:$0x3FB6] =	sst s10  }
0x32: {  	s10 =	sld [smem:$0x3FB4];
	_ =	sdelay $0x3  }
0x33: {  	p0 =	seq.s32 s10, $0x1;
	s10 =	sld [smem:$0x3FB6];
	_ =	sdelay $0x3  }
0x34: {  	[smem:$0x3FB6] =	sst s10  }
0x35: {  	s10 =	sld [smem:$0x3FB5];
	_ =	sdelay $0x3  }
0x36: {  	p1 =	seq.s32 s10, $0x1;
	s10 =	sld [smem:$0x3FB6];
	_ =	sdelay $0x3  }
0x37: {  	[smem:$0x3FB6] =	sst s10  }
0x38: {  	s10 =	sld [smem:$0x3FB7]  }
0x39: {  	_ = 	snop;
	(pc) =	sbr.ind lr, $3  }
0x3a: {  	_ = 	snop  }
0x3b: {  	_ = 	snop  }
0x3c: {  	p2 =	seq.s32 s10, $0x1;
	s10 =	sld [smem:$0x3FB6]  }
0x3d: {  	_ =	shalt  }
0x3e: {  	_ =	shalt  }
0x3f: {  	_ =	shalt  }
0x40: {  	_ =	shalt  }
0x41: {  	_ =	shalt  }
0x42: {  	_ =	shalt  }
0x43: {  	_ =	shalt  }
0x44: {  	_ =	shalt  }
0x45: {  	_ =	shalt  }
0x46: {  	_ =	shalt  }
0x47: {  	_ =	shalt  }
0x48: {  	_ =	shalt  }
0x49: {  	_ =	shalt  }
0x4a: {  	_ =	shalt  }
0x4b: {  	_ =	shalt  }
0x4c: {  	_ =	shalt  }
0x4d: {  	_ =	shalt  }
0x4e: {  	_ =	shalt  }
0x4f: {  	_ =	shalt  }
0x50: {  	_ =	shalt  }
0x51: {  	_ =	shalt  }
0x52: {  	_ =	shalt  }
0x53: {  	_ =	shalt  }
0x54: {  	_ =	shalt  }
0x55: {  	_ =	shalt  }
0x56: {  	_ =	shalt  }
0x57: {  	_ =	shalt  }
0x58: {  	_ =	shalt  }
0x59: {  	_ =	shalt  }
0x5a: {  	_ =	shalt  }
0x5b: {  	_ =	shalt  }
0x5c: {  	_ =	shalt  }
0x5d: {  	_ =	shalt  }
0x5e: {  	_ =	shalt  }
0x5f: {  	_ =	shalt  }
0x60: {  	_ =	shalt  }
0x61: {  	_ =	shalt  }
0x62: {  	_ =	shalt  }
0x63: {  	_ =	shalt  }
0x64: {  	_ =	shalt  }
0x65: {  	_ =	shalt  }
0x66: {  	_ =	shalt  }
0x67: {  	_ =	shalt  }
0x68: {  	_ =	shalt  }
0x69: {  	_ =	shalt  }
0x6a: {  	_ =	shalt  }
0x6b: {  	_ =	shalt  }
0x6c: {  	_ =	shalt  }
0x6d: {  	_ =	shalt  }
0x6e: {  	_ =	shalt  }
0x6f: {  	_ =	shalt  }
0x70: {  	_ =	shalt  }
0x71: {  	_ =	shalt  }
0x72: {  	_ =	shalt  }
0x73: {  	_ =	shalt  }
0x74: {  	_ =	shalt  }
0x75: {  	_ =	shalt  }
0x76: {  	_ =	shalt  }
0x77: {  	_ =	shalt  }
0x78: {  	_ =	shalt  }
0x79: {  	_ =	shalt  }
0x7a: {  	_ =	shalt  }
0x7b: {  	_ =	shalt  }
0x7c: {  	_ =	shalt  }
0x7d: {  	_ =	shalt  }
0x7e: {  	_ =	shalt  }
0x7f: {  	_ =	shalt  }
0x80: {  	_ =	shalt  }
0x81: {  	_ =	shalt  }
0x82: {  	_ =	shalt  }
0x83: {  	_ =	shalt  }
0x84: {  	_ =	shalt  }
0x85: {  	_ =	shalt  }
0x86: {  	_ =	shalt  }
0x87: {  	_ =	shalt  }
.Lfunc_end0:
.L_simem_size_0:
called_computation.1_lowered:
.L_overlay_start_0:
0x88: {  	s2 =	sld [smem:$0x3FD9]  }
0x89: {  	s3 =	sld [smem:$0x3FFE];
	_ =	sdelay $0x1  }
0x8a: {  	s1 =	srdreg.scid  }
0x8b: {  	s0 =	sand.u32 $0x1, s1  }
0x8c: {  	s14 =	sshll.u32 s0, $0xA;
	s2 =	sadd.s32 s3, s2  }
0x8d: {  	s2 =	sadd.s32 s2, s14  }
0x8e: {  	[smem:$0x3FC2] =	sst s2  }
0x8f: {  	_ = 	snop  }
0x90: {  	s2 =	sld [smem:$0x3FD0];
	_ =	sdelay $0x2  }
0x91: {  	s15 =	simm.s32 $0xA;
	s4 =	simm.s32 $0x10  }
0x92: {  	[smem:s4], [sflag:s15] =	dma.local [hbm:s2], $0x1  }
0x93: {  	_ =	swait.eq [sflag:s15], $0x1  }
0x94: {  	[sflag:s15] =	ssyncset.done $0x0  }
0x95: {  	[sflag:s15] =	ssyncadd.s32 $0xFFFFFFFF  }
0x96: {  	s16 =	sld [smem:$0x10];
	(tm) =	ssettm $0x1  }
0x97: {  	s17 =	sld [smem:$0x3FFB];
	_ =	sdelay $0x3  }
0x98: {  	_ =	strace s17  }
0x99: {  	s3 =	sld [smem:$0x3FFC];
	_ =	sdelay $0x3  }
0x9a: {  	_ =	strace s3  }
0x9b: {  	s3 =	sld [smem:$0x3FFD];
	_ =	sdelay $0x3  }
0x9c: {  	_ =	strace s3  }
0x9d: {  	_ =	strace $0x8FFFFFFF  }
0x9e: {  	s18 =	sld [smem:$0x3FDB];
	_ =	sdelay $0x1  }
0x9f: {  	s19 =	simm.s32 $_scs_section_size  }
0xa0: {  	s5 =	simm.s32 $_size__tile_overlayer_lowered;
	s6 =	simm.s32 $_tile_overlayer_lowered  }
0xa1: {  	s22 =	simm.s32 $0x1BFF;
	s21 =	sshll.u32 s6, $0x1;
	s3 =	sadd.s32 s19, s18  }
0xa2: {  	s7 =	simm.s32 $0x0;
	s20 =	sshll.u32 s5, $0x1;
	s5 =	sadd.s32 s21, s3  }
0xa3: {  	[timem:s7], [sflag:s22] =	dma.local [hbm:s5], s20  }
0xa4: {  	_ =	swait.ge [sflag:s22], s20  }
0xa5: {  	s4 =	ssub.s32 $0x0, s20;
	[sflag:s22] =	ssyncset.done $0x0  }
0xa6: {  	[sflag:s22] =	ssyncadd.s32 s4;
	_ =	sdelay $0x1  }
0xa7: {  	s23 =	simm.s32 $0x1B8B  }
0xa8: {  	_ =	swait.ge [sflag:s23], $0x1  }
0xa9: {  	[sflag:s23] =	ssyncset.done $0x0  }
0xaa: {  	s25 =	simm.s32 $0x1B8E;
	s24 =	sld [smem:$0x3FFE];
	[sflag:s23] =	ssyncadd.s32 $0xFFFFFFFF  }
0xab: {  	s26 =	simm.s32 $execute0_lowered;
	[smem:$0x3FD2] =	sst s25  }
0xac: {  	s5 =	sshll.u32 s26, $0x1;
	_ =	strace $0x80000049;
	[dreg:$0x1] =	wrdreg $0xFFFFFFFF  }
0xad: {  	s28 =	simm.s32 $_size_execute0_lowered;
	s3 =	sadd.s32 s3, s5;
	[dreg:$0x0] =	wrdreg $0x0  }
0xae: {  	s5 =	sshll.u32 s28, $0x1;
	[dreg:$0x2] =	wrdreg s3  }
0xaf: {  	[dreg:$0x3] =	wrdreg s5  }
0xb0: {  	[dreg:$0x4] =	wrdreg $0xC0  }
0xb1: {  	_ =	task [dreg:s7], $0x5FFFF  }
0xb2: {  	[dreg:$0x1] =	wrdreg $0xFFFFFFFF  }
0xb3: {  	[dreg:$0x0] =	wrdreg $0x60  }
0xb4: {  	[dreg:$0x2] =	wrdreg s24  }
0xb5: {  	[dreg:$0x3] =	wrdreg s16  }
0xb6: {  	[dreg:$0x4] =	wrdreg $0x9  }
0xb7: {  	_ =	task.clear_ibuf [dreg:s7], $0x5FFFF;
	_ =	strace $0x90000049  }
0xb8: {  	s29 =	simm.s32 $0x9;
	_ =	strace $0x8000004B  }
0xb9: {  	_ =	swait.ge [sflag:s29], $0x1  }
0xba: {  	[sflag:s29] =	ssyncadd.s32 $0xFFFFFFFF  }
0xbb: {  	_ =	strace $0x9000004B  }
0xbc: {  	_ =	sfence  }
0xbd: {  	s30 =	sld [smem:$0x0];
	_ =	sdelay $0x2  }
0xbe: {  	s31 =	sshll.u32 s1, $0xD;
	s1 =	sshrl.u32 s1, $0x2  }
0xbf: {  	s3 =	sand.u32 $0x4000, s31;
	s1 =	sadd.s32 s1, s30  }
0xc0: {  	s0 =	sor.u32 s3, s0;
	s1 =	sshll.u32 s1, $0x11  }
0xc1: {  	s0 =	sor.u32 s1, s0  }
0xc2: {  	s0 =	sadd.s32 $0x8F2B, s0  }
0xc3: {  	[sflag:s0] =	ssyncadd.remote.s32 $0x1  }
0xc4: {  	_ =	sfence.sel $0xFFFF  }
0xc5: {  	[dreg:$0x0] =	wrdreg $0xFFFFFFFF;
	(pc) =	sbr.abs _section_cstart, $3  }
0xc6: {  	[dreg:$0x1] =	wrdreg $0xFFFFFFFF  }
0xc7: {  	_ =	task.clear_ibuf [dreg:s7], $0x2FFFF;
	_ =	strace $0x9FFFFFFF  }
0xc8: {  	(tm) =	ssettm $0x7FFFFFFF  }
0xc9: {  	_ =	shalt  }
tec
execute0_lowered:
.L_overlay_start_1:
0x0: {  	(tag) =	ssettag $0x1  }
0x1: {  	s0 =	rddreg [dreg:$0x0]  }
0x2: {  	s5 =	rddreg [dreg:$0x1];
	s3 =	srdreg.scid  }
0x3: {  	s2 =	simm.s32 $0x0;
	s1 =	stileid.u32;
	s26 =	simm.s32 $0x880  }
0x4: {  	s10 =	simm.s32 $0x1880;
	s11 =	simm.s32 $0x2080;
	s12 =	simm.s32 $0x2880  }
0x5: {  	s13 =	simm.s32 $0x3080;
	s14 =	simm.s32 $0x3880;
	s15 =	simm.s32 $0x4080  }
0x6: {  	s16 =	simm.s32 $0x4880;
	s17 =	simm.s32 $0x5080;
	s18 =	simm.s32 $0x5880  }
0x7: {  	s19 =	simm.s32 $0x6080;
	s20 =	simm.s32 $0x6880;
	s21 =	simm.s32 $0x7080  }
0x8: {  	s22 =	simm.s32 $0x7880;
	s28 =	simm.s32 $0xA080;
	s29 =	simm.s32 $0xA880  }
0x9: {  	s30 =	simm.s32 $0xB080;
	s31 =	simm.s32 $0xB880;
	s3 =	sand.u32 $0x1, s3  }
0xa: {  	[smem:$0x7FF] =	sst s2;
	s4 =	sshll.u32 s1, $0x4;
	s6 =	sshll.u32 s3, $0x3  }
0xb: {  	_ =	strace $0x8000004A;
	s23 =	ssub.s32 $0x2, s3;
	s3 =	sadd.s32 $0x9200, s0  }
0xc: {  	[dreg:$0x5] =	wrdreg s26;
	s26 =	simm.s32 $0x9880;
	s4 =	sor.u32 s6, s4  }
0xd: {  	s8 =	sshrl.u32 s23, $0x1;
	s7 =	sadd.s32 s4, s0;
	s9 =	smul.u32 $0x300, s4  }
0xe: {  	s6 =	ssub.s32 s23, s8;
	s4 =	sadd.s32 $0x9300, s0;
	s8 =	simm.s32 $0x80  }
0xf: {  	s23 =	simm.s32 $0x8080;
	s24 =	sadd.s32 $0x9000, s7;
	s6 =	smax.u32 s6, $0x1  }
0x10: {  	v2 =	vlaneseq.u32;
	s7 =	simm.s32 $0x2;
	[dreg:$0x3] =	wrdreg s24;
	s25 =	sadd.s32 s5, s9  }
0x11: {  	vm0 =	vmmov $0xffff;
	v1 =	vshrl.u32 v2, $0x3;
	s5 =	sadd.s32 $0x9400, s0;
	s9 =	simm.s32 $0x1080;
	s24 =	simm.s32 $0x8880  }
0x12: {  	v0 =	vand.u32 $0x7, v2;
	v2 =	vor.u32 $0x8, v2;
	v1 =	vmul.u32 $0x8, v1;
	s0 =	simm.s32 $0x1;
	[dreg:$0x4] =	wrdreg s25;
	s25 =	simm.s32 $0x9080  }
.LBB2_1:
0x13: {  	s1 =	rddreg [dreg:$0x3]  }
0x14: {  	[tilespmem:s2], [sflag:$0x2] =	stream.linear.gather [hbm4b:s1+s2], $0x40, $0x38;
	[tilespmem:$0xC080] =	vst v63  }
0x15: {  	_ =	swait.ge [sflag:s7], $0x40  }
0x16: {  	[sflag:s7] =	ssyncset.done $0x0  }
0x17: {  	[sflag:s7] =	ssyncadd.s32 $0xFFFFFFC0  }
0x18: {  	v3 =	vld [tilespmem:$0x0];
	_ =	sdelay $0x4  }
0x19: {  	v4 =	vshrl.u32 v3, $0x3  }
0x1a: {  	v4 =	vmul.u32 $0x30, v4  }
0x1b: {  	v3 =	vand.u32 $0x7, v3  }
0x1c: {  	v3 =	vor.u32 v3, v4  }
0x1d: {  	v4 =	vperm.xlane v3, v0;
	_ =	sdelay $0x1  }
0x1e: {  	v4 =	vadd.s32 v1, v4;
	_ =	sdelay $0x3  }
0x1f: {  	v3 =	vperm.xlane v3, v2  }
0x20: {  	[tilespmem:s8], [sflag:$0x1] =	stream.indirect_vreg.gather [hbm4b:s3+s2], $0x80, v4, vm0, $0xb8;
	[tilespmem:$0xC080] =	vst v63  }
0x21: {  	s1 =	rddreg [dreg:$0x5];
	v3 =	vadd.s32 v1, v3  }
0x22: {  	[tilespmem:s1], [sflag:$0x1] =	stream.indirect_vreg.gather [hbm4b:s4+s2], $0x80, v4, vm0, $0xb8;
	[tilespmem:$0xC080] =	vst v63  }
0x23: {  	_ = 	snop  }
0x24: {  	[tilespmem:s9], [sflag:$0x1] =	stream.indirect_vreg.gather [hbm4b:s5+s2], $0x80, v4, vm0, $0xb8;
	[tilespmem:$0xC080] =	vst v63  }
0x25: {  	_ = 	snop  }
0x26: {  	[tilespmem:s10], [sflag:$0x1] =	stream.indirect_vreg.gather [hbm4b:s3+s2], $0x80, v3, vm0, $0xb8;
	[tilespmem:$0xC080] =	vst v63  }
0x27: {  	_ = 	snop  }
0x28: {  	[tilespmem:s11], [sflag:$0x1] =	stream.indirect_vreg.gather [hbm4b:s4+s2], $0x80, v3, vm0, $0xb8;
	[tilespmem:$0xC080] =	vst v63  }
0x29: {  	_ = 	snop  }
0x2a: {  	[tilespmem:s12], [sflag:$0x1] =	stream.indirect_vreg.gather [hbm4b:s5+s2], $0x80, v3, vm0, $0xb8;
	[tilespmem:$0xC080] =	vst v63  }
0x2b: {  	v3 =	vld [tilespmem:$0x10];
	_ =	sdelay $0x4  }
0x2c: {  	v61 =	vshrl.u32 v3, $0x3  }
0x2d: {  	v4 =	vmul.u32 $0x30, v61  }
0x2e: {  	v3 =	vand.u32 $0x7, v3  }
0x2f: {  	v3 =	vor.u32 v3, v4  }
0x30: {  	v4 =	vperm.xlane v3, v0;
	_ =	sdelay $0x1  }
0x31: {  	v4 =	vadd.s32 v1, v4;
	_ =	sdelay $0x3  }
0x32: {  	v3 =	vperm.xlane v3, v2  }
0x33: {  	[tilespmem:s13], [sflag:$0x1] =	stream.indirect_vreg.gather [hbm4b:s3+s2], $0x80, v4, vm0, $0xb8;
	[tilespmem:$0xC080] =	vst v63  }
0x34: {  	v3 =	vadd.s32 v1, v3  }
0x35: {  	[tilespmem:s14], [sflag:$0x1] =	stream.indirect_vreg.gather [hbm4b:s4+s2], $0x80, v4, vm0, $0xb8;
	[tilespmem:$0xC080] =	vst v63  }
0x36: {  	_ = 	snop  }
0x37: {  	[tilespmem:s15], [sflag:$0x1] =	stream.indirect_vreg.gather [hbm4b:s5+s2], $0x80, v4, vm0, $0xb8;
	[tilespmem:$0xC080] =	vst v63  }
0x38: {  	_ = 	snop  }
0x39: {  	[tilespmem:s16], [sflag:$0x1] =	stream.indirect_vreg.gather [hbm4b:s3+s2], $0x80, v3, vm0, $0xb8;
	[tilespmem:$0xC080] =	vst v63  }
0x3a: {  	_ = 	snop  }
0x3b: {  	[tilespmem:s17], [sflag:$0x1] =	stream.indirect_vreg.gather [hbm4b:s4+s2], $0x80, v3, vm0, $0xb8;
	[tilespmem:$0xC080] =	vst v63  }
0x3c: {  	_ = 	snop  }
0x3d: {  	[tilespmem:s18], [sflag:$0x1] =	stream.indirect_vreg.gather [hbm4b:s5+s2], $0x80, v3, vm0, $0xb8;
	[tilespmem:$0xC080] =	vst v63  }
0x3e: {  	v3 =	vld [tilespmem:$0x20];
	_ =	sdelay $0x4  }
0x3f: {  	v62 =	vshrl.u32 v3, $0x3  }
0x40: {  	v4 =	vmul.u32 $0x30, v62  }
0x41: {  	v3 =	vand.u32 $0x7, v3  }
0x42: {  	v3 =	vor.u32 v3, v4  }
0x43: {  	v4 =	vperm.xlane v3, v0;
	_ =	sdelay $0x1  }
0x44: {  	v4 =	vadd.s32 v1, v4;
	_ =	sdelay $0x3  }
0x45: {  	v3 =	vperm.xlane v3, v2  }
0x46: {  	[tilespmem:s19], [sflag:$0x1] =	stream.indirect_vreg.gather [hbm4b:s3+s2], $0x80, v4, vm0, $0xb8;
	[tilespmem:$0xC080] =	vst v63  }
0x47: {  	v3 =	vadd.s32 v1, v3  }
0x48: {  	[tilespmem:s20], [sflag:$0x1] =	stream.indirect_vreg.gather [hbm4b:s4+s2], $0x80, v4, vm0, $0xb8;
	[tilespmem:$0xC080] =	vst v63  }
0x49: {  	_ = 	snop  }
0x4a: {  	[tilespmem:s21], [sflag:$0x1] =	stream.indirect_vreg.gather [hbm4b:s5+s2], $0x80, v4, vm0, $0xb8;
	[tilespmem:$0xC080] =	vst v63  }
0x4b: {  	_ = 	snop  }
0x4c: {  	[tilespmem:s22], [sflag:$0x1] =	stream.indirect_vreg.gather [hbm4b:s3+s2], $0x80, v3, vm0, $0xb8;
	[tilespmem:$0xC080] =	vst v63  }
0x4d: {  	_ = 	snop  }
0x4e: {  	[tilespmem:s23], [sflag:$0x1] =	stream.indirect_vreg.gather [hbm4b:s4+s2], $0x80, v3, vm0, $0xb8;
	[tilespmem:$0xC080] =	vst v63  }
0x4f: {  	_ = 	snop  }
0x50: {  	[tilespmem:s24], [sflag:$0x1] =	stream.indirect_vreg.gather [hbm4b:s5+s2], $0x80, v3, vm0, $0xb8;
	[tilespmem:$0xC080] =	vst v63  }
0x51: {  	v3 =	vld [tilespmem:$0x30];
	_ =	sdelay $0x4  }
0x52: {  	v63 =	vshrl.u32 v3, $0x3  }
0x53: {  	v4 =	vmul.u32 $0x30, v63  }
0x54: {  	v3 =	vand.u32 $0x7, v3  }
0x55: {  	v3 =	vor.u32 v3, v4  }
0x56: {  	v4 =	vperm.xlane v3, v0;
	_ =	sdelay $0x1  }
0x57: {  	v4 =	vadd.s32 v1, v4;
	_ =	sdelay $0x3  }
0x58: {  	v3 =	vperm.xlane v3, v2  }
0x59: {  	[tilespmem:s25], [sflag:$0x1] =	stream.indirect_vreg.gather [hbm4b:s3+s2], $0x80, v4, vm0, $0xb8;
	[tilespmem:$0xC080] =	vst v63  }
0x5a: {  	v3 =	vadd.s32 v1, v3  }
0x5b: {  	[tilespmem:s26], [sflag:$0x1] =	stream.indirect_vreg.gather [hbm4b:s4+s2], $0x80, v4, vm0, $0xb8;
	[tilespmem:$0xC080] =	vst v63  }
0x5c: {  	_ = 	snop  }
0x5d: {  	[tilespmem:s28], [sflag:$0x1] =	stream.indirect_vreg.gather [hbm4b:s5+s2], $0x80, v4, vm0, $0xb8;
	[tilespmem:$0xC080] =	vst v63  }
0x5e: {  	_ = 	snop  }
0x5f: {  	[tilespmem:s29], [sflag:$0x1] =	stream.indirect_vreg.gather [hbm4b:s3+s2], $0x80, v3, vm0, $0xb8;
	[tilespmem:$0xC080] =	vst v63  }
0x60: {  	_ = 	snop  }
0x61: {  	[tilespmem:s30], [sflag:$0x1] =	stream.indirect_vreg.gather [hbm4b:s4+s2], $0x80, v3, vm0, $0xb8;
	[tilespmem:$0xC080] =	vst v63  }
0x62: {  	_ = 	snop  }
0x63: {  	[tilespmem:s31], [sflag:$0x1] =	stream.indirect_vreg.gather [hbm4b:s5+s2], $0x80, v3, vm0, $0xb8;
	[tilespmem:$0xC080] =	vst v63  }
0x64: {  	_ =	swait.ge [sflag:s0], $0xC000  }
0x65: {  	p0 =	sne.s32 s6, $0x1;
	[sflag:s0] =	ssyncset.done $0x0  }
.Ltmp0:
0x66: {  	s1 =	rddreg [dreg:$0x4];
	[sflag:s0] =	ssyncadd.s32 $0xFFFF4000;
	(pc) =	sbr.rel @p0 .LBB2_1-.Ltmp0, $4  }
0x67: {  	[hbm4b:s1+s2] =	stream.linear.scatter [tilespmem:s8], [sflag:$0x2], $0xC000, $0x38;
	[tilespmem:$0xC080] =	vst v63  }
0x68: {  	_ =	swait.ge [sflag:s7], $0xC000  }
0x69: {  	[sflag:s7] =	ssyncset.done $0x0  }
0x6a: {  	s6 =	sadd.s32 $0xFFFFFFFF, s6;
	[sflag:s7] =	ssyncadd.s32 $0xFFFF4000  }
0x6b: {  	_ =	sfence.sel $0x180000  }
0x6c: {  	[bflag:$0x0] =	sbarrier.arrive $0xFFFF  }
0x6d: {  	_ =	strace $0x9000004A  }
0x6e: {  	s0 =	stileid.u32;
	[bflag:$0x2] =	sbarrier.arrive $0xFFFF  }
0x6f: {  	p0 =	sne.s32 s0, $0x0;
	s0 =	rddreg [dreg:$0x2]  }
0x70: {  	s0 =	sadd.s32 @!p0 $0x100000, s0  }
0x71: {  	[sflag:s0] =	ssyncadd.tile.s32 @!p0 $0x1;
	_ =	shalt  }
.Lfunc_end2:
_tile_overlayer_lowered:
.L_overlay_start_2:
0x72: {  	(tag) =	ssettag $0x2  }
0x73: {  	s0 =	rddreg [dreg:$0x0];
	s2 =	stileid.u32  }
0x74: {  	s1 =	rddreg [dreg:$0x1];
	p0 =	sne.s32 s2, $0x0  }
0x75: {  	s3 =	rddreg [dreg:$0x2];
	[bflag:$0x3] =	sbarrier.arrive $0xFFFF;
	s2 =	simm.s32 @!p0 $0x1C02  }
0x76: {  	[timem:s3], [sflag:s2] =	dma.local @!p0 [hbm:s0], s1  }
0x77: {  	s0 =	simm.s32 @!p0 $0x2  }
0x78: {  	_ =	swait.ge @!p0 [sflag:s0], s1  }
0x79: {  	s1 =	ssub.s32 @!p0 $0x0, s1;
	[sflag:s0] =	ssyncset.done @!p0 $0x0  }
0x7a: {  	[sflag:s0] =	ssyncadd.s32 @!p0 s1  }
0x7b: {  	[bflag:$0x3] =	sbarrier.arrive $0xFFFF  }
0x7c: {  	_ =	shalt  }

</sc_bundles>
